<compile_context>
chip_gen: v7x
topology: tpu7x:2x2x1
jax: 0.10.2.dev20260603
libtpu: 0.0.44.dev20260713+nightly
codegen_flags: <defaults>
</compile_context>

<pallas_src>
import functools

import jax
import jax.numpy as jnp
from jax import lax
from jax.experimental import pallas as pl
from jax.experimental.pallas import tpu as pltpu
from jax.experimental.pallas import tpu_sc as plsc

_B = 4096
_L = 200
_EMBED = 64
_NC = 2
_NS = 16
_NW = _NC * _NS
_DPW = _B // _NW
_C0 = 128
_C1 = _L - _C0

_RB = 256
_NBLK = 999936 // _RB
_TAILR = 40
_PACKR = _NBLK * (_RB // 2) + _TAILR
_VCAP = 2 * _PACKR


_BW = _EMBED * _RB


def _repack_body(tt_hbm, tail_hbm, out_hbm, inb0, inb1, inb2, inb3,
                 outb0, outb1, sem_i, sem_o):
    wid = lax.axis_index("s") * _NC + lax.axis_index("c")
    nb = 122 + jnp.where(wid < (_NBLK - 122 * _NW), 1, 0)
    last_b = wid + _NW * (nb - 1)

    lanes = lax.iota(jnp.int32, 16)
    addrlane = (lanes // 2) * 128 + 64 * (lanes % 2)

    def start_in(b, buf):
        pltpu.make_async_copy(
            tt_hbm.at[:, pl.ds(b * _RB, _RB)], buf, sem_i).start()

    def wait_in(buf):
        pltpu.make_async_copy(
            tt_hbm.at[:, pl.ds(0, _RB)], buf, sem_i).wait()

    def wait_out_one():
        pltpu.make_async_copy(
            outb0, out_hbm.at[pl.ds(0, _BW)], sem_o).wait()

    def transpose(buf, obuf):
        @plsc.parallel_loop(0, _EMBED, unroll=4)
        def _(c):
            addr_c = addrlane + c
            for r0 in range(0, _RB, 16):
                v = buf[c, pl.ds(r0, 16)]
                plsc.store_scatter(obuf, [addr_c + r0 * 64], v)

    inbufs = (inb0, inb1, inb2, inb3)
    outbufs = (outb0, outb1)
    start_in(wid, inb0)
    start_in(jnp.minimum(wid + _NW, last_b), inb1)
    start_in(jnp.minimum(wid + 2 * _NW, last_b), inb2)

    def body(t, _):
        b = wid + _NW * t
        bn = jnp.minimum(b + 3 * _NW, last_b)
        for s in range(4):
            @pl.when(t % 4 == s)
            def _():
                start_in(bn, inbufs[(s + 3) % 4])
                wait_in(inbufs[s])

                @pl.when(t >= 2)
                def _():
                    wait_out_one()
                pltpu.make_async_copy(
                    outbufs[s % 2], out_hbm.at[pl.ds(b * _BW, _BW)],
                    sem_o).start()
        return 0

    lax.fori_loop(0, nb, body, 0)
    wait_in(inb0)
    wait_in(inb0)
    wait_in(inb0)
    wait_out_one()
    wait_out_one()

    @pl.when(wid == 2)
    def _():
        pltpu.sync_copy(tail_hbm, outb0.at[pl.ds(0, _TAILR * 2 * _EMBED)])
        pltpu.sync_copy(outb0.at[pl.ds(0, _TAILR * 2 * _EMBED)],
                        out_hbm.at[pl.ds(_NBLK * _BW, _TAILR * 2 * _EMBED)])


def _repack(tt, tail):
    mesh = plsc.VectorSubcoreMesh(core_axis_name="c", subcore_axis_name="s")
    f = pl.kernel(
        _repack_body,
        out_type=jax.ShapeDtypeStruct((_PACKR * 2 * _EMBED,), jnp.float32),
        mesh=mesh,
        scratch_types=[
            pltpu.VMEM((_EMBED, _RB), jnp.float32),
            pltpu.VMEM((_EMBED, _RB), jnp.float32),
            pltpu.VMEM((_EMBED, _RB), jnp.float32),
            pltpu.VMEM((_EMBED, _RB), jnp.float32),
            pltpu.VMEM((_BW,), jnp.float32),
            pltpu.VMEM((_BW,), jnp.float32),
            pltpu.SemaphoreType.DMA,
            pltpu.SemaphoreType.DMA,
        ],
        compiler_params=pltpu.CompilerParams(use_tc_tiling_on_sc=True,
                                             needs_layout_passes=False),
    )
    return f(tt, tail)


def _pool_body(x_hbm, table_hbm, out_hbm, idx_v, rows0, rows1, out_v,
               sem0, sem1):
    wid = lax.axis_index("s") * _NC + lax.axis_index("c")
    base = wid * _DPW

    pltpu.sync_copy(x_hbm.at[pl.ds(base, _DPW)], idx_v)

    def start(d, rows, sem):
        pltpu.make_async_copy(
            table_hbm.at[idx_v.at[d, pl.ds(0, _C0)]],
            rows.at[pl.ds(0, _C0)], sem).start()
        pltpu.make_async_copy(
            table_hbm.at[idx_v.at[d, pl.ds(_C0, _C1)]],
            rows.at[pl.ds(_C0, _C1)], sem).start()

    def wait(rows, sem):
        pltpu.make_async_copy(table_hbm.at[pl.ds(0, _L)], rows, sem).wait()

    def accum(rows, d):
        def row_body(i, acc):
            return tuple(
                acc[c] + rows[i, pl.ds(16 * c, 16)] for c in range(4))

        zero = jnp.zeros((16,), jnp.float32)
        acc = lax.fori_loop(0, _L, row_body, (zero, zero, zero, zero),
                            unroll=8)
        for c in range(4):
            out_v[d, pl.ds(16 * c, 16)] = acc[c]

    start(0, rows0, sem0)

    def body(t, _):
        d0 = 2 * t
        d1 = d0 + 1
        start(d1, rows1, sem1)
        wait(rows0, sem0)
        accum(rows0, d0)
        d2 = jnp.minimum(d0 + 2, _DPW - 1)
        start(d2, rows0, sem0)
        wait(rows1, sem1)
        accum(rows1, d1)
        return 0

    lax.fori_loop(0, _DPW // 2, body, 0)
    wait(rows0, sem0)

    pltpu.sync_copy(out_v, out_hbm.at[pl.ds(base, _DPW)])


def _pool(x, table):
    mesh = plsc.VectorSubcoreMesh(core_axis_name="c", subcore_axis_name="s")
    f = pl.kernel(
        _pool_body,
        out_type=jax.ShapeDtypeStruct((_B, _EMBED), jnp.float32),
        mesh=mesh,
        scratch_types=[
            pltpu.VMEM((_DPW, _L), jnp.int32),
            pltpu.VMEM((_L, _EMBED), jnp.float32),
            pltpu.VMEM((_L, _EMBED), jnp.float32),
            pltpu.VMEM((_DPW, _EMBED), jnp.float32),
            pltpu.SemaphoreType.DMA,
            pltpu.SemaphoreType.DMA,
        ],
        compiler_params=pltpu.CompilerParams(use_tc_tiling_on_sc=False),
    )
    return f(x, table)


def _mlp_body(s_ref, w1_ref, b1_ref, w2_ref, b2_ref, o_ref):
    s = s_ref[...]
    norm = jnp.sqrt(jnp.sum(s * s, axis=1, keepdims=True))
    ns = s / jnp.maximum(norm, 1e-12)
    h = lax.dot_general(ns, w1_ref[...], (((1,), (1,)), ((), ())),
                        preferred_element_type=jnp.float32)
    h = jnp.maximum(h + b1_ref[...], 0.0)
    o = lax.dot_general(h, w2_ref[...], (((1,), (1,)), ((), ())),
                        preferred_element_type=jnp.float32)
    o = o + b2_ref[...]
    m = jnp.max(o, axis=1, keepdims=True)
    e = jnp.exp(o - m)
    o_ref[...] = e / jnp.sum(e, axis=1, keepdims=True)


def _mlp(s, W1, b1, W2, b2):
    blk = 512
    grid = _B // blk
    return pl.pallas_call(
        _mlp_body,
        grid=(grid,),
        in_specs=[
            pl.BlockSpec((blk, _EMBED), lambda i: (i, 0)),
            pl.BlockSpec(W1.shape, lambda i: (0, 0)),
            pl.BlockSpec((1, W1.shape[0]), lambda i: (0, 0)),
            pl.BlockSpec(W2.shape, lambda i: (0, 0)),
            pl.BlockSpec((1, W2.shape[0]), lambda i: (0, 0)),
        ],
        out_specs=pl.BlockSpec((blk, _EMBED), lambda i: (i, 0)),
        out_shape=jax.ShapeDtypeStruct((_B, _EMBED), jnp.float32),
    )(s, W1, b1, W2, b2)


def kernel(x, table, W1, b1, W2, b2):
    x = x.astype(jnp.int32)
    tt = jnp.swapaxes(table, 0, 1)
    t80 = jnp.concatenate(
        [table[_NBLK * _RB:], jnp.zeros((15, _EMBED), jnp.float32)])
    tail = jnp.reshape(t80, (_TAILR * 2 * _EMBED,))
    packed = _repack(tt, tail)
    tbl = jnp.reshape(packed, (_VCAP, _EMBED))
    s = _pool(x, tbl)
    return _mlp(s, W1, b1.reshape(1, -1), W2, b2.reshape(1, -1))

# --- scband reference (transcript-rebuilt; emitter-appended) ---
"""Pipeline reference for scband-doc-embeddings-13726715478088 (READ-ONLY COPY).

The authoritative reference and input builder live on the scoring server;
editing this copy changes nothing except your own understanding.
"""

import jax, jax.numpy as jnp
import numpy as np

VOCAB = 1000000
EMBED = 64
HIDDEN = 64
L1 = 128
OUT = 64
B = 4096
L = 200


def setup_inputs(seed: int = 0) -> dict:
    key = jax.random.key(seed)
    k1, k2, k3, k4 = jax.random.split(key, 4)
    x = jax.random.randint(k1, (B, L), 0, VOCAB + 1, dtype=jnp.int64) if jax.config.jax_enable_x64 else jax.random.randint(k1, (B, L), 0, VOCAB + 1, dtype=jnp.int32)
    table = jax.random.normal(k2, (VOCAB + 1, EMBED), dtype=jnp.float32) * 0.02
    table = table.at[0].set(jnp.zeros((EMBED,), dtype=jnp.float32))  # padding_idx=0
    W1 = jax.random.normal(k3, (L1, HIDDEN), dtype=jnp.float32) * 0.05
    b1 = jnp.zeros((L1,), dtype=jnp.float32)
    W2 = jax.random.normal(k4, (OUT, L1), dtype=jnp.float32) * 0.05
    b2 = jnp.zeros((OUT,), dtype=jnp.float32)
    return {"x": x, "table": table, "W1": W1, "b1": b1, "W2": W2, "b2": b2}


def reference(x, table, W1, b1, W2, b2):
    # nn.Embedding with padding_idx=0 (row 0 is zeros in table)
    embedding = jnp.take(table, x, axis=0)            # [B, L, EMBED]
    s = jnp.sum(embedding, axis=1)                     # [B, EMBED]
    # F.normalize(p=2, dim=1, eps=1e-12)
    norm = jnp.sqrt(jnp.sum(s * s, axis=1, keepdims=True))
    ns = s / jnp.maximum(norm, 1e-12)
    h = jnp.maximum(ns @ W1.T + b1, 0.0)               # Linear + ReLU
    o = h @ W2.T + b2                                  # Linear
    return jax.nn.softmax(o, axis=1)

if __name__ == "__main__":
    import jax
    _d = setup_inputs()
    print(jax.jit(kernel)(*tuple(_d.values())))

</pallas_src>

<mosaic_0001>
#map = affine_map<(d0, d1) -> (0, 0)>
#map1 = affine_map<(d0, d1) -> (0)>
module attributes {stable_mosaic.version = 14 : i64} {
  func.func @_repack_body(%arg0: i32, %arg1: i32, %arg2: memref<64x1000001xf32, #tpu.memory_space<hbm>>, %arg3: memref<5120xf32, #tpu.memory_space<hbm>>, %arg4: memref<64001024xf32, #tpu.memory_space<hbm>>, %arg5: memref<64x256xf32, #tpu.memory_space<vmem>>, %arg6: memref<64x256xf32, #tpu.memory_space<vmem>>, %arg7: memref<64x256xf32, #tpu.memory_space<vmem>>, %arg8: memref<64x256xf32, #tpu.memory_space<vmem>>, %arg9: memref<16384xf32, #tpu.memory_space<vmem>>, %arg10: memref<16384xf32, #tpu.memory_space<vmem>>, %arg11: memref<!tpu.dma_semaphore, #tpu.memory_space<semaphore_mem>>, %arg12: memref<!tpu.dma_semaphore, #tpu.memory_space<semaphore_mem>>) attributes {dimension_semantics = [#tpu.dimension_semantics<core_parallel>, #tpu.dimension_semantics<subcore_parallel>], iteration_bounds = array<i64: 2, 16>, scalar_prefetch = 0 : i64, scratch_operands = 8 : i64, tpu.core_type = #tpu.core_type<sc_vector_subcore>, window_params = [{transform_indices = #map}, {transform_indices = #map1}, {transform_indices = #map1}]} {
    %mul3A = arith.constant 2 : i32
    %mul3A_0 = arith.muli %arg1, %mul3A : i32
    %add3A = arith.addi %mul3A_0, %arg0 : i32
    %lt3A = arith.constant 2 : i32
    %lt3A_1 = arith.cmpi slt, %add3A, %lt3A : i32
    %jit3A = arith.constant 1 : i32
    %jit3A_2 = arith.constant 0 : i32
    %select_n3A = arith.select %lt3A_1, %jit3A, %jit3A_2 : i32
    %add3A_3 = arith.constant 122 : i32
    %add3A_4 = arith.addi %add3A_3, %select_n3A : i32
    %sub3A = arith.constant 1 : i32
    %sub3A_5 = arith.subi %add3A_4, %sub3A : i32
    %mul3A_6 = arith.constant 32 : i32
    %mul3A_7 = arith.muli %mul3A_6, %sub3A_5 : i32
    %add3A_8 = arith.addi %add3A, %mul3A_7 : i32
    %iota3A = tpu.iota {dimensions = array<i32: 0>} : vector<16xi32>
    %jit3A_9 = arith.constant 2 : i32
    %div3A = vector.broadcast %jit3A_9 : i32 to vector<16xi32>
    %div3A_10 = arith.divsi %iota3A, %div3A : vector<16xi32>
    %sign3A = arith.constant 0 : i32
    %sign3A_11 = vector.broadcast %sign3A : i32 to vector<16xi32>
    %sign3A_12 = arith.cmpi sgt, %iota3A, %sign3A_11 : vector<16xi32>
    %sign3A_13 = arith.extui %sign3A_12 : vector<16xi1> to vector<16xi32>
    %sign3A_14 = arith.constant 0 : i32
    %sign3A_15 = vector.broadcast %sign3A_14 : i32 to vector<16xi32>
    %sign3A_16 = arith.cmpi slt, %iota3A, %sign3A_15 : vector<16xi32>
    %sign3A_17 = arith.extui %sign3A_16 : vector<16xi1> to vector<16xi32>
    %sign3A_18 = arith.subi %sign3A_13, %sign3A_17 : vector<16xi32>
    %sign3A_19 = arith.constant 0 : i32
    %sign3A_20 = arith.cmpi sgt, %jit3A_9, %sign3A_19 : i32
    %sign3A_21 = arith.extui %sign3A_20 : i1 to i32
    %sign3A_22 = arith.constant 0 : i32
    %sign3A_23 = arith.cmpi slt, %jit3A_9, %sign3A_22 : i32
    %sign3A_24 = arith.extui %sign3A_23 : i1 to i32
    %sign3A_25 = arith.subi %sign3A_21, %sign3A_24 : i32
    %ne3A = vector.broadcast %sign3A_25 : i32 to vector<16xi32>
    %ne3A_26 = arith.cmpi ne, %sign3A_18, %ne3A : vector<16xi32>
    %rem3A = vector.broadcast %jit3A_9 : i32 to vector<16xi32>
    %rem3A_27 = arith.remsi %iota3A, %rem3A : vector<16xi32>
    %ne3A_28 = arith.constant 0 : i32
    %ne3A_29 = vector.broadcast %ne3A_28 : i32 to vector<16xi32>
    %ne3A_30 = arith.cmpi ne, %rem3A_27, %ne3A_29 : vector<16xi32>
    %and3A = arith.andi %ne3A_26, %ne3A_30 : vector<16xi1>
    %sub3A_31 = arith.constant 1 : i32
    %sub3A_32 = vector.broadcast %sub3A_31 : i32 to vector<16xi32>
    %sub3A_33 = arith.subi %div3A_10, %sub3A_32 : vector<16xi32>
    %select_n3A_34 = arith.select %and3A, %sub3A_33, %div3A_10 : vector<16xi1>, vector<16xi32>
    %mul3A_35 = arith.constant 128 : i32
    %mul3A_36 = vector.broadcast %mul3A_35 : i32 to vector<16xi32>
    %mul3A_37 = arith.muli %select_n3A_34, %mul3A_36 : vector<16xi32>
    %jit3A_38 = arith.constant 2 : i32
    %eq3A = arith.constant 0 : i32
    %eq3A_39 = arith.cmpi eq, %jit3A_38, %eq3A : i32
    %jit3A_40 = arith.constant 1 : i32
    %select_n3A_41 = arith.select %eq3A_39, %jit3A_40, %jit3A_38 : i32
    %rem3A_42 = vector.broadcast %select_n3A_41 : i32 to vector<16xi32>
    %rem3A_43 = arith.remsi %iota3A, %rem3A_42 : vector<16xi32>
    %ne3A_44 = arith.constant 0 : i32
    %ne3A_45 = vector.broadcast %ne3A_44 : i32 to vector<16xi32>
    %ne3A_46 = arith.cmpi ne, %rem3A_43, %ne3A_45 : vector<16xi32>
    %lt3A_47 = arith.constant 0 : i32
    %lt3A_48 = vector.broadcast %lt3A_47 : i32 to vector<16xi32>
    %lt3A_49 = arith.cmpi slt, %rem3A_43, %lt3A_48 : vector<16xi32>
    %lt3A_50 = arith.constant 0 : i32
    %lt3A_51 = arith.cmpi slt, %select_n3A_41, %lt3A_50 : i32
    %ne3A_52 = vector.broadcast %lt3A_51 : i1 to vector<16xi1>
    %ne3A_53 = vector.broadcast %ne3A_52 : vector<16xi1> to vector<16xi1>
    %ne3A_54 = arith.xori %lt3A_49, %ne3A_53 : vector<16xi1>
    %and3A_55 = arith.andi %ne3A_54, %ne3A_46 : vector<16xi1>
    %add3A_56 = vector.broadcast %select_n3A_41 : i32 to vector<16xi32>
    %add3A_57 = arith.addi %rem3A_43, %add3A_56 : vector<16xi32>
    %select_n3A_58 = arith.select %and3A_55, %add3A_57, %rem3A_43 : vector<16xi1>, vector<16xi32>
    %mul3A_59 = arith.constant 64 : i32
    %mul3A_60 = vector.broadcast %mul3A_59 : i32 to vector<16xi32>
    %mul3A_61 = arith.muli %mul3A_60, %select_n3A_58 : vector<16xi32>
    %add3A_62 = arith.addi %mul3A_37, %mul3A_61 : vector<16xi32>
    %mul3A_63 = arith.constant 256 : i32
    %mul3A_64 = arith.muli %add3A, %mul3A_63 : i32
    %dma_start3A = arith.constant 0 : i32
    %dma_start3A_65 = tpu.memref_slice %arg2[%dma_start3A, %mul3A_64] : memref<64x1000001xf32, #tpu.memory_space<hbm>> -> memref<64x256xf32, #tpu.memory_space<hbm>>
    %dma_start3A_66 = arith.constant 0 : i32
    %dma_start3A_67 = tpu.memref_slice %arg2[%dma_start3A_66, %mul3A_64] : memref<64x1000001xf32, #tpu.memory_space<hbm>> -> memref<64x256xf32, #tpu.memory_space<hbm>>
    tpu.enqueue_dma source(%dma_start3A_67 : memref<64x256xf32, #tpu.memory_space<hbm>>) target(%arg5 : memref<64x256xf32, #tpu.memory_space<vmem>>) target_semaphore(%arg11 : memref<!tpu.dma_semaphore, #tpu.memory_space<semaphore_mem>>)
    %add3A_68 = arith.constant 32 : i32
    %add3A_69 = arith.addi %add3A, %add3A_68 : i32
    %min3A = arith.minsi %add3A_69, %add3A_8 : i32
    %mul3A_70 = arith.constant 256 : i32
    %mul3A_71 = arith.muli %min3A, %mul3A_70 : i32
    %dma_start3A_72 = arith.constant 0 : i32
    %dma_start3A_73 = tpu.memref_slice %arg2[%dma_start3A_72, %mul3A_71] : memref<64x1000001xf32, #tpu.memory_space<hbm>> -> memref<64x256xf32, #tpu.memory_space<hbm>>
    %dma_start3A_74 = arith.constant 0 : i32
    %dma_start3A_75 = tpu.memref_slice %arg2[%dma_start3A_74, %mul3A_71] : memref<64x1000001xf32, #tpu.memory_space<hbm>> -> memref<64x256xf32, #tpu.memory_space<hbm>>
    tpu.enqueue_dma source(%dma_start3A_75 : memref<64x256xf32, #tpu.memory_space<hbm>>) target(%arg6 : memref<64x256xf32, #tpu.memory_space<vmem>>) target_semaphore(%arg11 : memref<!tpu.dma_semaphore, #tpu.memory_space<semaphore_mem>>)
    %add3A_76 = arith.constant 64 : i32
    %add3A_77 = arith.addi %add3A, %add3A_76 : i32
    %min3A_78 = arith.minsi %add3A_77, %add3A_8 : i32
    %mul3A_79 = arith.constant 256 : i32
    %mul3A_80 = arith.muli %min3A_78, %mul3A_79 : i32
    %dma_start3A_81 = arith.constant 0 : i32
    %dma_start3A_82 = tpu.memref_slice %arg2[%dma_start3A_81, %mul3A_80] : memref<64x1000001xf32, #tpu.memory_space<hbm>> -> memref<64x256xf32, #tpu.memory_space<hbm>>
    %dma_start3A_83 = arith.constant 0 : i32
    %dma_start3A_84 = tpu.memref_slice %arg2[%dma_start3A_83, %mul3A_80] : memref<64x1000001xf32, #tpu.memory_space<hbm>> -> memref<64x256xf32, #tpu.memory_space<hbm>>
    tpu.enqueue_dma source(%dma_start3A_84 : memref<64x256xf32, #tpu.memory_space<hbm>>) target(%arg7 : memref<64x256xf32, #tpu.memory_space<vmem>>) target_semaphore(%arg11 : memref<!tpu.dma_semaphore, #tpu.memory_space<semaphore_mem>>)
    %while3A = arith.constant 0 : i32
    %while3A_85 = arith.constant 0 : i32
    %while3A_86 = arith.subi %add3A_4, %while3A : i32
    %while3A_87 = arith.addi %while3A, %while3A_86 : i32
    %while3A_88 = arith.constant 1 : i32
    %while3A_89 = arith.divsi %while3A_86, %while3A_88 : i32
    %while3A_90 = arith.muli %while3A_89, %while3A_88 : i32
    %while3A_91 = arith.addi %while3A, %while3A_90 : i32
    %while3A_92 = arith.constant 1 : i32
    %while3A_93 = scf.for %while3A_124 = %while3A to %while3A_91 step %while3A_92 iter_args(%while3A_125 = %while3A_85) -> (i32)  : i32 {
      %mul3A_126 = arith.constant 32 : i32
      %mul3A_127 = arith.muli %mul3A_126, %while3A_124 : i32
      %add3A_128 = arith.addi %add3A, %mul3A_127 : i32
      %add3A_129 = arith.constant 96 : i32
      %add3A_130 = arith.addi %add3A_128, %add3A_129 : i32
      %min3A_131 = arith.minsi %add3A_130, %add3A_8 : i32
      %jit3A_132 = arith.constant 4 : i32
      %eq3A_133 = arith.constant 0 : i32
      %eq3A_134 = arith.cmpi eq, %jit3A_132, %eq3A_133 : i32
      %jit3A_135 = arith.constant 1 : i32
      %select_n3A_136 = arith.select %eq3A_134, %jit3A_135, %jit3A_132 : i32
      %rem3A_137 = arith.remsi %while3A_124, %select_n3A_136 : i32
      %ne3A_138 = arith.constant 0 : i32
      %ne3A_139 = arith.cmpi ne, %rem3A_137, %ne3A_138 : i32
      %lt3A_140 = arith.constant 0 : i32
      %lt3A_141 = arith.cmpi slt, %rem3A_137, %lt3A_140 : i32
      %lt3A_142 = arith.constant 0 : i32
      %lt3A_143 = arith.cmpi slt, %select_n3A_136, %lt3A_142 : i32
      %ne3A_144 = arith.xori %lt3A_141, %lt3A_143 : i1
      %and3A_145 = arith.andi %ne3A_144, %ne3A_139 : i1
      %add3A_146 = arith.addi %rem3A_137, %select_n3A_136 : i32
      %select_n3A_147 = arith.select %and3A_145, %add3A_146, %rem3A_137 : i32
      %eq3A_148 = arith.constant 0 : i32
      %eq3A_149 = arith.cmpi eq, %select_n3A_147, %eq3A_148 : i32
      %convert_element_type3A_150 = arith.extui %eq3A_149 : i1 to i32
      %cond3A_151 = arith.constant 0 : i32
      %cond3A_152 = arith.cmpi ne, %convert_element_type3A_150, %cond3A_151 : i32
      scf.if %cond3A_152 {
        %mul3A_217 = arith.constant 256 : i32
        %mul3A_218 = arith.muli %min3A_131, %mul3A_217 : i32
        %dma_start3A_219 = arith.constant 0 : i32
        %dma_start3A_220 = tpu.memref_slice %arg2[%dma_start3A_219, %mul3A_218] : memref<64x1000001xf32, #tpu.memory_space<hbm>> -> memref<64x256xf32, #tpu.memory_space<hbm>>
        %dma_start3A_221 = arith.constant 0 : i32
        %dma_start3A_222 = tpu.memref_slice %arg2[%dma_start3A_221, %mul3A_218] : memref<64x1000001xf32, #tpu.memory_space<hbm>> -> memref<64x256xf32, #tpu.memory_space<hbm>>
        tpu.enqueue_dma source(%dma_start3A_222 : memref<64x256xf32, #tpu.memory_space<hbm>>) target(%arg8 : memref<64x256xf32, #tpu.memory_space<vmem>>) target_semaphore(%arg11 : memref<!tpu.dma_semaphore, #tpu.memory_space<semaphore_mem>>)
        %dma_wait3A_223 = arith.constant 0 : i32
        %dma_wait3A_224 = arith.constant 0 : i32
        %dma_wait3A_225 = tpu.memref_slice %arg2[%dma_wait3A_223, %dma_wait3A_224] : memref<64x1000001xf32, #tpu.memory_space<hbm>> -> memref<64x256xf32, #tpu.memory_space<hbm>>
        %dma_wait3A_226 = arith.constant 0 : i32
        %dma_wait3A_227 = arith.constant 0 : i32
        %dma_wait3A_228 = tpu.memref_slice %arg2[%dma_wait3A_226, %dma_wait3A_227] : memref<64x1000001xf32, #tpu.memory_space<hbm>> -> memref<64x256xf32, #tpu.memory_space<hbm>>
        tpu.wait_dma2 semaphore(%arg11 : memref<!tpu.dma_semaphore, #tpu.memory_space<semaphore_mem>>) src(%dma_wait3A_228 : memref<64x256xf32, #tpu.memory_space<hbm>>) dst(%arg5 : memref<64x256xf32, #tpu.memory_space<vmem>>)
        %ge3A = arith.constant 2 : i32
        %ge3A_229 = arith.cmpi sge, %while3A_124, %ge3A : i32
        %convert_element_type3A_230 = arith.extui %ge3A_229 : i1 to i32
        %cond3A_231 = arith.constant 0 : i32
        %cond3A_232 = arith.cmpi ne, %convert_element_type3A_230, %cond3A_231 : i32
        scf.if %cond3A_232 {
          %dma_wait3A_237 = arith.constant 0 : i32
          %dma_wait3A_238 = tpu.memref_slice %arg4[%dma_wait3A_237] : memref<64001024xf32, #tpu.memory_space<hbm>> -> memref<16384xf32, #tpu.memory_space<hbm>>
          %dma_wait3A_239 = arith.constant 0 : i32
          %dma_wait3A_240 = tpu.memref_slice %arg4[%dma_wait3A_239] : memref<64001024xf32, #tpu.memory_space<hbm>> -> memref<16384xf32, #tpu.memory_space<hbm>>
          tpu.wait_dma2 semaphore(%arg12 : memref<!tpu.dma_semaphore, #tpu.memory_space<semaphore_mem>>) src(%arg9 : memref<16384xf32, #tpu.memory_space<vmem>>) dst(%dma_wait3A_240 : memref<16384xf32, #tpu.memory_space<hbm>>)
        } else {
        }
        %mul3A_233 = arith.constant 16384 : i32
        %mul3A_234 = arith.muli %add3A_128, %mul3A_233 : i32
        %dma_start3A_235 = tpu.memref_slice %arg4[%mul3A_234] : memref<64001024xf32, #tpu.memory_space<hbm>> -> memref<16384xf32, #tpu.memory_space<hbm>>
        %dma_start3A_236 = tpu.memref_slice %arg4[%mul3A_234] : memref<64001024xf32, #tpu.memory_space<hbm>> -> memref<16384xf32, #tpu.memory_space<hbm>>
        tpu.enqueue_dma source(%arg9 : memref<16384xf32, #tpu.memory_space<vmem>>) target(%dma_start3A_236 : memref<16384xf32, #tpu.memory_space<hbm>>) target_semaphore(%arg12 : memref<!tpu.dma_semaphore, #tpu.memory_space<semaphore_mem>>)
      } else {
      }
      %jit3A_153 = arith.constant 4 : i32
      %eq3A_154 = arith.constant 0 : i32
      %eq3A_155 = arith.cmpi eq, %jit3A_153, %eq3A_154 : i32
      %jit3A_156 = arith.constant 1 : i32
      %select_n3A_157 = arith.select %eq3A_155, %jit3A_156, %jit3A_153 : i32
      %rem3A_158 = arith.remsi %while3A_124, %select_n3A_157 : i32
      %ne3A_159 = arith.constant 0 : i32
      %ne3A_160 = arith.cmpi ne, %rem3A_158, %ne3A_159 : i32
      %lt3A_161 = arith.constant 0 : i32
      %lt3A_162 = arith.cmpi slt, %rem3A_158, %lt3A_161 : i32
      %lt3A_163 = arith.constant 0 : i32
      %lt3A_164 = arith.cmpi slt, %select_n3A_157, %lt3A_163 : i32
      %ne3A_165 = arith.xori %lt3A_162, %lt3A_164 : i1
      %and3A_166 = arith.andi %ne3A_165, %ne3A_160 : i1
      %add3A_167 = arith.addi %rem3A_158, %select_n3A_157 : i32
      %select_n3A_168 = arith.select %and3A_166, %add3A_167, %rem3A_158 : i32
      %eq3A_169 = arith.constant 1 : i32
      %eq3A_170 = arith.cmpi eq, %select_n3A_168, %eq3A_169 : i32
      %convert_element_type3A_171 = arith.extui %eq3A_170 : i1 to i32
      %cond3A_172 = arith.constant 0 : i32
      %cond3A_173 = arith.cmpi ne, %convert_element_type3A_171, %cond3A_172 : i32
      scf.if %cond3A_173 {
        %mul3A_217 = arith.constant 256 : i32
        %mul3A_218 = arith.muli %min3A_131, %mul3A_217 : i32
        %dma_start3A_219 = arith.constant 0 : i32
        %dma_start3A_220 = tpu.memref_slice %arg2[%dma_start3A_219, %mul3A_218] : memref<64x1000001xf32, #tpu.memory_space<hbm>> -> memref<64x256xf32, #tpu.memory_space<hbm>>
        %dma_start3A_221 = arith.constant 0 : i32
        %dma_start3A_222 = tpu.memref_slice %arg2[%dma_start3A_221, %mul3A_218] : memref<64x1000001xf32, #tpu.memory_space<hbm>> -> memref<64x256xf32, #tpu.memory_space<hbm>>
        tpu.enqueue_dma source(%dma_start3A_222 : memref<64x256xf32, #tpu.memory_space<hbm>>) target(%arg5 : memref<64x256xf32, #tpu.memory_space<vmem>>) target_semaphore(%arg11 : memref<!tpu.dma_semaphore, #tpu.memory_space<semaphore_mem>>)
        %dma_wait3A_223 = arith.constant 0 : i32
        %dma_wait3A_224 = arith.constant 0 : i32
        %dma_wait3A_225 = tpu.memref_slice %arg2[%dma_wait3A_223, %dma_wait3A_224] : memref<64x1000001xf32, #tpu.memory_space<hbm>> -> memref<64x256xf32, #tpu.memory_space<hbm>>
        %dma_wait3A_226 = arith.constant 0 : i32
        %dma_wait3A_227 = arith.constant 0 : i32
        %dma_wait3A_228 = tpu.memref_slice %arg2[%dma_wait3A_226, %dma_wait3A_227] : memref<64x1000001xf32, #tpu.memory_space<hbm>> -> memref<64x256xf32, #tpu.memory_space<hbm>>
        tpu.wait_dma2 semaphore(%arg11 : memref<!tpu.dma_semaphore, #tpu.memory_space<semaphore_mem>>) src(%dma_wait3A_228 : memref<64x256xf32, #tpu.memory_space<hbm>>) dst(%arg6 : memref<64x256xf32, #tpu.memory_space<vmem>>)
        %ge3A = arith.constant 2 : i32
        %ge3A_229 = arith.cmpi sge, %while3A_124, %ge3A : i32
        %convert_element_type3A_230 = arith.extui %ge3A_229 : i1 to i32
        %cond3A_231 = arith.constant 0 : i32
        %cond3A_232 = arith.cmpi ne, %convert_element_type3A_230, %cond3A_231 : i32
        scf.if %cond3A_232 {
          %dma_wait3A_237 = arith.constant 0 : i32
          %dma_wait3A_238 = tpu.memref_slice %arg4[%dma_wait3A_237] : memref<64001024xf32, #tpu.memory_space<hbm>> -> memref<16384xf32, #tpu.memory_space<hbm>>
          %dma_wait3A_239 = arith.constant 0 : i32
          %dma_wait3A_240 = tpu.memref_slice %arg4[%dma_wait3A_239] : memref<64001024xf32, #tpu.memory_space<hbm>> -> memref<16384xf32, #tpu.memory_space<hbm>>
          tpu.wait_dma2 semaphore(%arg12 : memref<!tpu.dma_semaphore, #tpu.memory_space<semaphore_mem>>) src(%arg9 : memref<16384xf32, #tpu.memory_space<vmem>>) dst(%dma_wait3A_240 : memref<16384xf32, #tpu.memory_space<hbm>>)
        } else {
        }
        %mul3A_233 = arith.constant 16384 : i32
        %mul3A_234 = arith.muli %add3A_128, %mul3A_233 : i32
        %dma_start3A_235 = tpu.memref_slice %arg4[%mul3A_234] : memref<64001024xf32, #tpu.memory_space<hbm>> -> memref<16384xf32, #tpu.memory_space<hbm>>
        %dma_start3A_236 = tpu.memref_slice %arg4[%mul3A_234] : memref<64001024xf32, #tpu.memory_space<hbm>> -> memref<16384xf32, #tpu.memory_space<hbm>>
        tpu.enqueue_dma source(%arg10 : memref<16384xf32, #tpu.memory_space<vmem>>) target(%dma_start3A_236 : memref<16384xf32, #tpu.memory_space<hbm>>) target_semaphore(%arg12 : memref<!tpu.dma_semaphore, #tpu.memory_space<semaphore_mem>>)
      } else {
      }
      %jit3A_174 = arith.constant 4 : i32
      %eq3A_175 = arith.constant 0 : i32
      %eq3A_176 = arith.cmpi eq, %jit3A_174, %eq3A_175 : i32
      %jit3A_177 = arith.constant 1 : i32
      %select_n3A_178 = arith.select %eq3A_176, %jit3A_177, %jit3A_174 : i32
      %rem3A_179 = arith.remsi %while3A_124, %select_n3A_178 : i32
      %ne3A_180 = arith.constant 0 : i32
      %ne3A_181 = arith.cmpi ne, %rem3A_179, %ne3A_180 : i32
      %lt3A_182 = arith.constant 0 : i32
      %lt3A_183 = arith.cmpi slt, %rem3A_179, %lt3A_182 : i32
      %lt3A_184 = arith.constant 0 : i32
      %lt3A_185 = arith.cmpi slt, %select_n3A_178, %lt3A_184 : i32
      %ne3A_186 = arith.xori %lt3A_183, %lt3A_185 : i1
      %and3A_187 = arith.andi %ne3A_186, %ne3A_181 : i1
      %add3A_188 = arith.addi %rem3A_179, %select_n3A_178 : i32
      %select_n3A_189 = arith.select %and3A_187, %add3A_188, %rem3A_179 : i32
      %eq3A_190 = arith.constant 2 : i32
      %eq3A_191 = arith.cmpi eq, %select_n3A_189, %eq3A_190 : i32
      %convert_element_type3A_192 = arith.extui %eq3A_191 : i1 to i32
      %cond3A_193 = arith.constant 0 : i32
      %cond3A_194 = arith.cmpi ne, %convert_element_type3A_192, %cond3A_193 : i32
      scf.if %cond3A_194 {
        %mul3A_217 = arith.constant 256 : i32
        %mul3A_218 = arith.muli %min3A_131, %mul3A_217 : i32
        %dma_start3A_219 = arith.constant 0 : i32
        %dma_start3A_220 = tpu.memref_slice %arg2[%dma_start3A_219, %mul3A_218] : memref<64x1000001xf32, #tpu.memory_space<hbm>> -> memref<64x256xf32, #tpu.memory_space<hbm>>
        %dma_start3A_221 = arith.constant 0 : i32
        %dma_start3A_222 = tpu.memref_slice %arg2[%dma_start3A_221, %mul3A_218] : memref<64x1000001xf32, #tpu.memory_space<hbm>> -> memref<64x256xf32, #tpu.memory_space<hbm>>
        tpu.enqueue_dma source(%dma_start3A_222 : memref<64x256xf32, #tpu.memory_space<hbm>>) target(%arg6 : memref<64x256xf32, #tpu.memory_space<vmem>>) target_semaphore(%arg11 : memref<!tpu.dma_semaphore, #tpu.memory_space<semaphore_mem>>)
        %dma_wait3A_223 = arith.constant 0 : i32
        %dma_wait3A_224 = arith.constant 0 : i32
        %dma_wait3A_225 = tpu.memref_slice %arg2[%dma_wait3A_223, %dma_wait3A_224] : memref<64x1000001xf32, #tpu.memory_space<hbm>> -> memref<64x256xf32, #tpu.memory_space<hbm>>
        %dma_wait3A_226 = arith.constant 0 : i32
        %dma_wait3A_227 = arith.constant 0 : i32
        %dma_wait3A_228 = tpu.memref_slice %arg2[%dma_wait3A_226, %dma_wait3A_227] : memref<64x1000001xf32, #tpu.memory_space<hbm>> -> memref<64x256xf32, #tpu.memory_space<hbm>>
        tpu.wait_dma2 semaphore(%arg11 : memref<!tpu.dma_semaphore, #tpu.memory_space<semaphore_mem>>) src(%dma_wait3A_228 : memref<64x256xf32, #tpu.memory_space<hbm>>) dst(%arg7 : memref<64x256xf32, #tpu.memory_space<vmem>>)
        %ge3A = arith.constant 2 : i32
        %ge3A_229 = arith.cmpi sge, %while3A_124, %ge3A : i32
        %convert_element_type3A_230 = arith.extui %ge3A_229 : i1 to i32
        %cond3A_231 = arith.constant 0 : i32
        %cond3A_232 = arith.cmpi ne, %convert_element_type3A_230, %cond3A_231 : i32
        scf.if %cond3A_232 {
          %dma_wait3A_237 = arith.constant 0 : i32
          %dma_wait3A_238 = tpu.memref_slice %arg4[%dma_wait3A_237] : memref<64001024xf32, #tpu.memory_space<hbm>> -> memref<16384xf32, #tpu.memory_space<hbm>>
          %dma_wait3A_239 = arith.constant 0 : i32
          %dma_wait3A_240 = tpu.memref_slice %arg4[%dma_wait3A_239] : memref<64001024xf32, #tpu.memory_space<hbm>> -> memref<16384xf32, #tpu.memory_space<hbm>>
          tpu.wait_dma2 semaphore(%arg12 : memref<!tpu.dma_semaphore, #tpu.memory_space<semaphore_mem>>) src(%arg9 : memref<16384xf32, #tpu.memory_space<vmem>>) dst(%dma_wait3A_240 : memref<16384xf32, #tpu.memory_space<hbm>>)
        } else {
        }
        %mul3A_233 = arith.constant 16384 : i32
        %mul3A_234 = arith.muli %add3A_128, %mul3A_233 : i32
        %dma_start3A_235 = tpu.memref_slice %arg4[%mul3A_234] : memref<64001024xf32, #tpu.memory_space<hbm>> -> memref<16384xf32, #tpu.memory_space<hbm>>
        %dma_start3A_236 = tpu.memref_slice %arg4[%mul3A_234] : memref<64001024xf32, #tpu.memory_space<hbm>> -> memref<16384xf32, #tpu.memory_space<hbm>>
        tpu.enqueue_dma source(%arg9 : memref<16384xf32, #tpu.memory_space<vmem>>) target(%dma_start3A_236 : memref<16384xf32, #tpu.memory_space<hbm>>) target_semaphore(%arg12 : memref<!tpu.dma_semaphore, #tpu.memory_space<semaphore_mem>>)
      } else {
      }
      %jit3A_195 = arith.constant 4 : i32
      %eq3A_196 = arith.constant 0 : i32
      %eq3A_197 = arith.cmpi eq, %jit3A_195, %eq3A_196 : i32
      %jit3A_198 = arith.constant 1 : i32
      %select_n3A_199 = arith.select %eq3A_197, %jit3A_198, %jit3A_195 : i32
      %rem3A_200 = arith.remsi %while3A_124, %select_n3A_199 : i32
      %ne3A_201 = arith.constant 0 : i32
      %ne3A_202 = arith.cmpi ne, %rem3A_200, %ne3A_201 : i32
      %lt3A_203 = arith.constant 0 : i32
      %lt3A_204 = arith.cmpi slt, %rem3A_200, %lt3A_203 : i32
      %lt3A_205 = arith.constant 0 : i32
      %lt3A_206 = arith.cmpi slt, %select_n3A_199, %lt3A_205 : i32
      %ne3A_207 = arith.xori %lt3A_204, %lt3A_206 : i1
      %and3A_208 = arith.andi %ne3A_207, %ne3A_202 : i1
      %add3A_209 = arith.addi %rem3A_200, %select_n3A_199 : i32
      %select_n3A_210 = arith.select %and3A_208, %add3A_209, %rem3A_200 : i32
      %eq3A_211 = arith.constant 3 : i32
      %eq3A_212 = arith.cmpi eq, %select_n3A_210, %eq3A_211 : i32
      %convert_element_type3A_213 = arith.extui %eq3A_212 : i1 to i32
      %cond3A_214 = arith.constant 0 : i32
      %cond3A_215 = arith.cmpi ne, %convert_element_type3A_213, %cond3A_214 : i32
      scf.if %cond3A_215 {
        %mul3A_217 = arith.constant 256 : i32
        %mul3A_218 = arith.muli %min3A_131, %mul3A_217 : i32
        %dma_start3A_219 = arith.constant 0 : i32
        %dma_start3A_220 = tpu.memref_slice %arg2[%dma_start3A_219, %mul3A_218] : memref<64x1000001xf32, #tpu.memory_space<hbm>> -> memref<64x256xf32, #tpu.memory_space<hbm>>
        %dma_start3A_221 = arith.constant 0 : i32
        %dma_start3A_222 = tpu.memref_slice %arg2[%dma_start3A_221, %mul3A_218] : memref<64x1000001xf32, #tpu.memory_space<hbm>> -> memref<64x256xf32, #tpu.memory_space<hbm>>
        tpu.enqueue_dma source(%dma_start3A_222 : memref<64x256xf32, #tpu.memory_space<hbm>>) target(%arg7 : memref<64x256xf32, #tpu.memory_space<vmem>>) target_semaphore(%arg11 : memref<!tpu.dma_semaphore, #tpu.memory_space<semaphore_mem>>)
        %dma_wait3A_223 = arith.constant 0 : i32
        %dma_wait3A_224 = arith.constant 0 : i32
        %dma_wait3A_225 = tpu.memref_slice %arg2[%dma_wait3A_223, %dma_wait3A_224] : memref<64x1000001xf32, #tpu.memory_space<hbm>> -> memref<64x256xf32, #tpu.memory_space<hbm>>
        %dma_wait3A_226 = arith.constant 0 : i32
        %dma_wait3A_227 = arith.constant 0 : i32
        %dma_wait3A_228 = tpu.memref_slice %arg2[%dma_wait3A_226, %dma_wait3A_227] : memref<64x1000001xf32, #tpu.memory_space<hbm>> -> memref<64x256xf32, #tpu.memory_space<hbm>>
        tpu.wait_dma2 semaphore(%arg11 : memref<!tpu.dma_semaphore, #tpu.memory_space<semaphore_mem>>) src(%dma_wait3A_228 : memref<64x256xf32, #tpu.memory_space<hbm>>) dst(%arg8 : memref<64x256xf32, #tpu.memory_space<vmem>>)
        %ge3A = arith.constant 2 : i32
        %ge3A_229 = arith.cmpi sge, %while3A_124, %ge3A : i32
        %convert_element_type3A_230 = arith.extui %ge3A_229 : i1 to i32
        %cond3A_231 = arith.constant 0 : i32
        %cond3A_232 = arith.cmpi ne, %convert_element_type3A_230, %cond3A_231 : i32
        scf.if %cond3A_232 {
          %dma_wait3A_237 = arith.constant 0 : i32
          %dma_wait3A_238 = tpu.memref_slice %arg4[%dma_wait3A_237] : memref<64001024xf32, #tpu.memory_space<hbm>> -> memref<16384xf32, #tpu.memory_space<hbm>>
          %dma_wait3A_239 = arith.constant 0 : i32
          %dma_wait3A_240 = tpu.memref_slice %arg4[%dma_wait3A_239] : memref<64001024xf32, #tpu.memory_space<hbm>> -> memref<16384xf32, #tpu.memory_space<hbm>>
          tpu.wait_dma2 semaphore(%arg12 : memref<!tpu.dma_semaphore, #tpu.memory_space<semaphore_mem>>) src(%arg9 : memref<16384xf32, #tpu.memory_space<vmem>>) dst(%dma_wait3A_240 : memref<16384xf32, #tpu.memory_space<hbm>>)
        } else {
        }
        %mul3A_233 = arith.constant 16384 : i32
        %mul3A_234 = arith.muli %add3A_128, %mul3A_233 : i32
        %dma_start3A_235 = tpu.memref_slice %arg4[%mul3A_234] : memref<64001024xf32, #tpu.memory_space<hbm>> -> memref<16384xf32, #tpu.memory_space<hbm>>
        %dma_start3A_236 = tpu.memref_slice %arg4[%mul3A_234] : memref<64001024xf32, #tpu.memory_space<hbm>> -> memref<16384xf32, #tpu.memory_space<hbm>>
        tpu.enqueue_dma source(%arg10 : memref<16384xf32, #tpu.memory_space<vmem>>) target(%dma_start3A_236 : memref<16384xf32, #tpu.memory_space<hbm>>) target_semaphore(%arg12 : memref<!tpu.dma_semaphore, #tpu.memory_space<semaphore_mem>>)
      } else {
      }
      %while3A_216 = arith.constant 0 : i32
      scf.yield %while3A_216 : i32
    }
    %while3A_94 = arith.constant 1 : i32
    %while3A_95 = scf.for %while3A_124 = %while3A_91 to %while3A_87 step %while3A_94 iter_args(%while3A_125 = %while3A_93) -> (i32)  : i32 {
      %mul3A_126 = arith.constant 32 : i32
      %mul3A_127 = arith.muli %mul3A_126, %while3A_124 : i32
      %add3A_128 = arith.addi %add3A, %mul3A_127 : i32
      %add3A_129 = arith.constant 96 : i32
      %add3A_130 = arith.addi %add3A_128, %add3A_129 : i32
      %min3A_131 = arith.minsi %add3A_130, %add3A_8 : i32
      %jit3A_132 = arith.constant 4 : i32
      %eq3A_133 = arith.constant 0 : i32
      %eq3A_134 = arith.cmpi eq, %jit3A_132, %eq3A_133 : i32
      %jit3A_135 = arith.constant 1 : i32
      %select_n3A_136 = arith.select %eq3A_134, %jit3A_135, %jit3A_132 : i32
      %rem3A_137 = arith.remsi %while3A_124, %select_n3A_136 : i32
      %ne3A_138 = arith.constant 0 : i32
      %ne3A_139 = arith.cmpi ne, %rem3A_137, %ne3A_138 : i32
      %lt3A_140 = arith.constant 0 : i32
      %lt3A_141 = arith.cmpi slt, %rem3A_137, %lt3A_140 : i32
      %lt3A_142 = arith.constant 0 : i32
      %lt3A_143 = arith.cmpi slt, %select_n3A_136, %lt3A_142 : i32
      %ne3A_144 = arith.xori %lt3A_141, %lt3A_143 : i1
      %and3A_145 = arith.andi %ne3A_144, %ne3A_139 : i1
      %add3A_146 = arith.addi %rem3A_137, %select_n3A_136 : i32
      %select_n3A_147 = arith.select %and3A_145, %add3A_146, %rem3A_137 : i32
      %eq3A_148 = arith.constant 0 : i32
      %eq3A_149 = arith.cmpi eq, %select_n3A_147, %eq3A_148 : i32
      %convert_element_type3A_150 = arith.extui %eq3A_149 : i1 to i32
      %cond3A_151 = arith.constant 0 : i32
      %cond3A_152 = arith.cmpi ne, %convert_element_type3A_150, %cond3A_151 : i32
      scf.if %cond3A_152 {
        %mul3A_217 = arith.constant 256 : i32
        %mul3A_218 = arith.muli %min3A_131, %mul3A_217 : i32
        %dma_start3A_219 = arith.constant 0 : i32
        %dma_start3A_220 = tpu.memref_slice %arg2[%dma_start3A_219, %mul3A_218] : memref<64x1000001xf32, #tpu.memory_space<hbm>> -> memref<64x256xf32, #tpu.memory_space<hbm>>
        %dma_start3A_221 = arith.constant 0 : i32
        %dma_start3A_222 = tpu.memref_slice %arg2[%dma_start3A_221, %mul3A_218] : memref<64x1000001xf32, #tpu.memory_space<hbm>> -> memref<64x256xf32, #tpu.memory_space<hbm>>
        tpu.enqueue_dma source(%dma_start3A_222 : memref<64x256xf32, #tpu.memory_space<hbm>>) target(%arg8 : memref<64x256xf32, #tpu.memory_space<vmem>>) target_semaphore(%arg11 : memref<!tpu.dma_semaphore, #tpu.memory_space<semaphore_mem>>)
        %dma_wait3A_223 = arith.constant 0 : i32
        %dma_wait3A_224 = arith.constant 0 : i32
        %dma_wait3A_225 = tpu.memref_slice %arg2[%dma_wait3A_223, %dma_wait3A_224] : memref<64x1000001xf32, #tpu.memory_space<hbm>> -> memref<64x256xf32, #tpu.memory_space<hbm>>
        %dma_wait3A_226 = arith.constant 0 : i32
        %dma_wait3A_227 = arith.constant 0 : i32
        %dma_wait3A_228 = tpu.memref_slice %arg2[%dma_wait3A_226, %dma_wait3A_227] : memref<64x1000001xf32, #tpu.memory_space<hbm>> -> memref<64x256xf32, #tpu.memory_space<hbm>>
        tpu.wait_dma2 semaphore(%arg11 : memref<!tpu.dma_semaphore, #tpu.memory_space<semaphore_mem>>) src(%dma_wait3A_228 : memref<64x256xf32, #tpu.memory_space<hbm>>) dst(%arg5 : memref<64x256xf32, #tpu.memory_space<vmem>>)
        %ge3A = arith.constant 2 : i32
        %ge3A_229 = arith.cmpi sge, %while3A_124, %ge3A : i32
        %convert_element_type3A_230 = arith.extui %ge3A_229 : i1 to i32
        %cond3A_231 = arith.constant 0 : i32
        %cond3A_232 = arith.cmpi ne, %convert_element_type3A_230, %cond3A_231 : i32
        scf.if %cond3A_232 {
          %dma_wait3A_237 = arith.constant 0 : i32
          %dma_wait3A_238 = tpu.memref_slice %arg4[%dma_wait3A_237] : memref<64001024xf32, #tpu.memory_space<hbm>> -> memref<16384xf32, #tpu.memory_space<hbm>>
          %dma_wait3A_239 = arith.constant 0 : i32
          %dma_wait3A_240 = tpu.memref_slice %arg4[%dma_wait3A_239] : memref<64001024xf32, #tpu.memory_space<hbm>> -> memref<16384xf32, #tpu.memory_space<hbm>>
          tpu.wait_dma2 semaphore(%arg12 : memref<!tpu.dma_semaphore, #tpu.memory_space<semaphore_mem>>) src(%arg9 : memref<16384xf32, #tpu.memory_space<vmem>>) dst(%dma_wait3A_240 : memref<16384xf32, #tpu.memory_space<hbm>>)
        } else {
        }
        %mul3A_233 = arith.constant 16384 : i32
        %mul3A_234 = arith.muli %add3A_128, %mul3A_233 : i32
        %dma_start3A_235 = tpu.memref_slice %arg4[%mul3A_234] : memref<64001024xf32, #tpu.memory_space<hbm>> -> memref<16384xf32, #tpu.memory_space<hbm>>
        %dma_start3A_236 = tpu.memref_slice %arg4[%mul3A_234] : memref<64001024xf32, #tpu.memory_space<hbm>> -> memref<16384xf32, #tpu.memory_space<hbm>>
        tpu.enqueue_dma source(%arg9 : memref<16384xf32, #tpu.memory_space<vmem>>) target(%dma_start3A_236 : memref<16384xf32, #tpu.memory_space<hbm>>) target_semaphore(%arg12 : memref<!tpu.dma_semaphore, #tpu.memory_space<semaphore_mem>>)
      } else {
      }
      %jit3A_153 = arith.constant 4 : i32
      %eq3A_154 = arith.constant 0 : i32
      %eq3A_155 = arith.cmpi eq, %jit3A_153, %eq3A_154 : i32
      %jit3A_156 = arith.constant 1 : i32
      %select_n3A_157 = arith.select %eq3A_155, %jit3A_156, %jit3A_153 : i32
      %rem3A_158 = arith.remsi %while3A_124, %select_n3A_157 : i32
      %ne3A_159 = arith.constant 0 : i32
      %ne3A_160 = arith.cmpi ne, %rem3A_158, %ne3A_159 : i32
      %lt3A_161 = arith.constant 0 : i32
      %lt3A_162 = arith.cmpi slt, %rem3A_158, %lt3A_161 : i32
      %lt3A_163 = arith.constant 0 : i32
      %lt3A_164 = arith.cmpi slt, %select_n3A_157, %lt3A_163 : i32
      %ne3A_165 = arith.xori %lt3A_162, %lt3A_164 : i1
      %and3A_166 = arith.andi %ne3A_165, %ne3A_160 : i1
      %add3A_167 = arith.addi %rem3A_158, %select_n3A_157 : i32
      %select_n3A_168 = arith.select %and3A_166, %add3A_167, %rem3A_158 : i32
      %eq3A_169 = arith.constant 1 : i32
      %eq3A_170 = arith.cmpi eq, %select_n3A_168, %eq3A_169 : i32
      %convert_element_type3A_171 = arith.extui %eq3A_170 : i1 to i32
      %cond3A_172 = arith.constant 0 : i32
      %cond3A_173 = arith.cmpi ne, %convert_element_type3A_171, %cond3A_172 : i32
      scf.if %cond3A_173 {
        %mul3A_217 = arith.constant 256 : i32
        %mul3A_218 = arith.muli %min3A_131, %mul3A_217 : i32
        %dma_start3A_219 = arith.constant 0 : i32
        %dma_start3A_220 = tpu.memref_slice %arg2[%dma_start3A_219, %mul3A_218] : memref<64x1000001xf32, #tpu.memory_space<hbm>> -> memref<64x256xf32, #tpu.memory_space<hbm>>
        %dma_start3A_221 = arith.constant 0 : i32
        %dma_start3A_222 = tpu.memref_slice %arg2[%dma_start3A_221, %mul3A_218] : memref<64x1000001xf32, #tpu.memory_space<hbm>> -> memref<64x256xf32, #tpu.memory_space<hbm>>
        tpu.enqueue_dma source(%dma_start3A_222 : memref<64x256xf32, #tpu.memory_space<hbm>>) target(%arg5 : memref<64x256xf32, #tpu.memory_space<vmem>>) target_semaphore(%arg11 : memref<!tpu.dma_semaphore, #tpu.memory_space<semaphore_mem>>)
        %dma_wait3A_223 = arith.constant 0 : i32
        %dma_wait3A_224 = arith.constant 0 : i32
        %dma_wait3A_225 = tpu.memref_slice %arg2[%dma_wait3A_223, %dma_wait3A_224] : memref<64x1000001xf32, #tpu.memory_space<hbm>> -> memref<64x256xf32, #tpu.memory_space<hbm>>
        %dma_wait3A_226 = arith.constant 0 : i32
        %dma_wait3A_227 = arith.constant 0 : i32
        %dma_wait3A_228 = tpu.memref_slice %arg2[%dma_wait3A_226, %dma_wait3A_227] : memref<64x1000001xf32, #tpu.memory_space<hbm>> -> memref<64x256xf32, #tpu.memory_space<hbm>>
        tpu.wait_dma2 semaphore(%arg11 : memref<!tpu.dma_semaphore, #tpu.memory_space<semaphore_mem>>) src(%dma_wait3A_228 : memref<64x256xf32, #tpu.memory_space<hbm>>) dst(%arg6 : memref<64x256xf32, #tpu.memory_space<vmem>>)
        %ge3A = arith.constant 2 : i32
        %ge3A_229 = arith.cmpi sge, %while3A_124, %ge3A : i32
        %convert_element_type3A_230 = arith.extui %ge3A_229 : i1 to i32
        %cond3A_231 = arith.constant 0 : i32
        %cond3A_232 = arith.cmpi ne, %convert_element_type3A_230, %cond3A_231 : i32
        scf.if %cond3A_232 {
          %dma_wait3A_237 = arith.constant 0 : i32
          %dma_wait3A_238 = tpu.memref_slice %arg4[%dma_wait3A_237] : memref<64001024xf32, #tpu.memory_space<hbm>> -> memref<16384xf32, #tpu.memory_space<hbm>>
          %dma_wait3A_239 = arith.constant 0 : i32
          %dma_wait3A_240 = tpu.memref_slice %arg4[%dma_wait3A_239] : memref<64001024xf32, #tpu.memory_space<hbm>> -> memref<16384xf32, #tpu.memory_space<hbm>>
          tpu.wait_dma2 semaphore(%arg12 : memref<!tpu.dma_semaphore, #tpu.memory_space<semaphore_mem>>) src(%arg9 : memref<16384xf32, #tpu.memory_space<vmem>>) dst(%dma_wait3A_240 : memref<16384xf32, #tpu.memory_space<hbm>>)
        } else {
        }
        %mul3A_233 = arith.constant 16384 : i32
        %mul3A_234 = arith.muli %add3A_128, %mul3A_233 : i32
        %dma_start3A_235 = tpu.memref_slice %arg4[%mul3A_234] : memref<64001024xf32, #tpu.memory_space<hbm>> -> memref<16384xf32, #tpu.memory_space<hbm>>
        %dma_start3A_236 = tpu.memref_slice %arg4[%mul3A_234] : memref<64001024xf32, #tpu.memory_space<hbm>> -> memref<16384xf32, #tpu.memory_space<hbm>>
        tpu.enqueue_dma source(%arg10 : memref<16384xf32, #tpu.memory_space<vmem>>) target(%dma_start3A_236 : memref<16384xf32, #tpu.memory_space<hbm>>) target_semaphore(%arg12 : memref<!tpu.dma_semaphore, #tpu.memory_space<semaphore_mem>>)
      } else {
      }
      %jit3A_174 = arith.constant 4 : i32
      %eq3A_175 = arith.constant 0 : i32
      %eq3A_176 = arith.cmpi eq, %jit3A_174, %eq3A_175 : i32
      %jit3A_177 = arith.constant 1 : i32
      %select_n3A_178 = arith.select %eq3A_176, %jit3A_177, %jit3A_174 : i32
      %rem3A_179 = arith.remsi %while3A_124, %select_n3A_178 : i32
      %ne3A_180 = arith.constant 0 : i32
      %ne3A_181 = arith.cmpi ne, %rem3A_179, %ne3A_180 : i32
      %lt3A_182 = arith.constant 0 : i32
      %lt3A_183 = arith.cmpi slt, %rem3A_179, %lt3A_182 : i32
      %lt3A_184 = arith.constant 0 : i32
      %lt3A_185 = arith.cmpi slt, %select_n3A_178, %lt3A_184 : i32
      %ne3A_186 = arith.xori %lt3A_183, %lt3A_185 : i1
      %and3A_187 = arith.andi %ne3A_186, %ne3A_181 : i1
      %add3A_188 = arith.addi %rem3A_179, %select_n3A_178 : i32
      %select_n3A_189 = arith.select %and3A_187, %add3A_188, %rem3A_179 : i32
      %eq3A_190 = arith.constant 2 : i32
      %eq3A_191 = arith.cmpi eq, %select_n3A_189, %eq3A_190 : i32
      %convert_element_type3A_192 = arith.extui %eq3A_191 : i1 to i32
      %cond3A_193 = arith.constant 0 : i32
      %cond3A_194 = arith.cmpi ne, %convert_element_type3A_192, %cond3A_193 : i32
      scf.if %cond3A_194 {
        %mul3A_217 = arith.constant 256 : i32
        %mul3A_218 = arith.muli %min3A_131, %mul3A_217 : i32
        %dma_start3A_219 = arith.constant 0 : i32
        %dma_start3A_220 = tpu.memref_slice %arg2[%dma_start3A_219, %mul3A_218] : memref<64x1000001xf32, #tpu.memory_space<hbm>> -> memref<64x256xf32, #tpu.memory_space<hbm>>
        %dma_start3A_221 = arith.constant 0 : i32
        %dma_start3A_222 = tpu.memref_slice %arg2[%dma_start3A_221, %mul3A_218] : memref<64x1000001xf32, #tpu.memory_space<hbm>> -> memref<64x256xf32, #tpu.memory_space<hbm>>
        tpu.enqueue_dma source(%dma_start3A_222 : memref<64x256xf32, #tpu.memory_space<hbm>>) target(%arg6 : memref<64x256xf32, #tpu.memory_space<vmem>>) target_semaphore(%arg11 : memref<!tpu.dma_semaphore, #tpu.memory_space<semaphore_mem>>)
        %dma_wait3A_223 = arith.constant 0 : i32
        %dma_wait3A_224 = arith.constant 0 : i32
        %dma_wait3A_225 = tpu.memref_slice %arg2[%dma_wait3A_223, %dma_wait3A_224] : memref<64x1000001xf32, #tpu.memory_space<hbm>> -> memref<64x256xf32, #tpu.memory_space<hbm>>
        %dma_wait3A_226 = arith.constant 0 : i32
        %dma_wait3A_227 = arith.constant 0 : i32
        %dma_wait3A_228 = tpu.memref_slice %arg2[%dma_wait3A_226, %dma_wait3A_227] : memref<64x1000001xf32, #tpu.memory_space<hbm>> -> memref<64x256xf32, #tpu.memory_space<hbm>>
        tpu.wait_dma2 semaphore(%arg11 : memref<!tpu.dma_semaphore, #tpu.memory_space<semaphore_mem>>) src(%dma_wait3A_228 : memref<64x256xf32, #tpu.memory_space<hbm>>) dst(%arg7 : memref<64x256xf32, #tpu.memory_space<vmem>>)
        %ge3A = arith.constant 2 : i32
        %ge3A_229 = arith.cmpi sge, %while3A_124, %ge3A : i32
        %convert_element_type3A_230 = arith.extui %ge3A_229 : i1 to i32
        %cond3A_231 = arith.constant 0 : i32
        %cond3A_232 = arith.cmpi ne, %convert_element_type3A_230, %cond3A_231 : i32
        scf.if %cond3A_232 {
          %dma_wait3A_237 = arith.constant 0 : i32
          %dma_wait3A_238 = tpu.memref_slice %arg4[%dma_wait3A_237] : memref<64001024xf32, #tpu.memory_space<hbm>> -> memref<16384xf32, #tpu.memory_space<hbm>>
          %dma_wait3A_239 = arith.constant 0 : i32
          %dma_wait3A_240 = tpu.memref_slice %arg4[%dma_wait3A_239] : memref<64001024xf32, #tpu.memory_space<hbm>> -> memref<16384xf32, #tpu.memory_space<hbm>>
          tpu.wait_dma2 semaphore(%arg12 : memref<!tpu.dma_semaphore, #tpu.memory_space<semaphore_mem>>) src(%arg9 : memref<16384xf32, #tpu.memory_space<vmem>>) dst(%dma_wait3A_240 : memref<16384xf32, #tpu.memory_space<hbm>>)
        } else {
        }
        %mul3A_233 = arith.constant 16384 : i32
        %mul3A_234 = arith.muli %add3A_128, %mul3A_233 : i32
        %dma_start3A_235 = tpu.memref_slice %arg4[%mul3A_234] : memref<64001024xf32, #tpu.memory_space<hbm>> -> memref<16384xf32, #tpu.memory_space<hbm>>
        %dma_start3A_236 = tpu.memref_slice %arg4[%mul3A_234] : memref<64001024xf32, #tpu.memory_space<hbm>> -> memref<16384xf32, #tpu.memory_space<hbm>>
        tpu.enqueue_dma source(%arg9 : memref<16384xf32, #tpu.memory_space<vmem>>) target(%dma_start3A_236 : memref<16384xf32, #tpu.memory_space<hbm>>) target_semaphore(%arg12 : memref<!tpu.dma_semaphore, #tpu.memory_space<semaphore_mem>>)
      } else {
      }
      %jit3A_195 = arith.constant 4 : i32
      %eq3A_196 = arith.constant 0 : i32
      %eq3A_197 = arith.cmpi eq, %jit3A_195, %eq3A_196 : i32
      %jit3A_198 = arith.constant 1 : i32
      %select_n3A_199 = arith.select %eq3A_197, %jit3A_198, %jit3A_195 : i32
      %rem3A_200 = arith.remsi %while3A_124, %select_n3A_199 : i32
      %ne3A_201 = arith.constant 0 : i32
      %ne3A_202 = arith.cmpi ne, %rem3A_200, %ne3A_201 : i32
      %lt3A_203 = arith.constant 0 : i32
      %lt3A_204 = arith.cmpi slt, %rem3A_200, %lt3A_203 : i32
      %lt3A_205 = arith.constant 0 : i32
      %lt3A_206 = arith.cmpi slt, %select_n3A_199, %lt3A_205 : i32
      %ne3A_207 = arith.xori %lt3A_204, %lt3A_206 : i1
      %and3A_208 = arith.andi %ne3A_207, %ne3A_202 : i1
      %add3A_209 = arith.addi %rem3A_200, %select_n3A_199 : i32
      %select_n3A_210 = arith.select %and3A_208, %add3A_209, %rem3A_200 : i32
      %eq3A_211 = arith.constant 3 : i32
      %eq3A_212 = arith.cmpi eq, %select_n3A_210, %eq3A_211 : i32
      %convert_element_type3A_213 = arith.extui %eq3A_212 : i1 to i32
      %cond3A_214 = arith.constant 0 : i32
      %cond3A_215 = arith.cmpi ne, %convert_element_type3A_213, %cond3A_214 : i32
      scf.if %cond3A_215 {
        %mul3A_217 = arith.constant 256 : i32
        %mul3A_218 = arith.muli %min3A_131, %mul3A_217 : i32
        %dma_start3A_219 = arith.constant 0 : i32
        %dma_start3A_220 = tpu.memref_slice %arg2[%dma_start3A_219, %mul3A_218] : memref<64x1000001xf32, #tpu.memory_space<hbm>> -> memref<64x256xf32, #tpu.memory_space<hbm>>
        %dma_start3A_221 = arith.constant 0 : i32
        %dma_start3A_222 = tpu.memref_slice %arg2[%dma_start3A_221, %mul3A_218] : memref<64x1000001xf32, #tpu.memory_space<hbm>> -> memref<64x256xf32, #tpu.memory_space<hbm>>
        tpu.enqueue_dma source(%dma_start3A_222 : memref<64x256xf32, #tpu.memory_space<hbm>>) target(%arg7 : memref<64x256xf32, #tpu.memory_space<vmem>>) target_semaphore(%arg11 : memref<!tpu.dma_semaphore, #tpu.memory_space<semaphore_mem>>)
        %dma_wait3A_223 = arith.constant 0 : i32
        %dma_wait3A_224 = arith.constant 0 : i32
        %dma_wait3A_225 = tpu.memref_slice %arg2[%dma_wait3A_223, %dma_wait3A_224] : memref<64x1000001xf32, #tpu.memory_space<hbm>> -> memref<64x256xf32, #tpu.memory_space<hbm>>
        %dma_wait3A_226 = arith.constant 0 : i32
        %dma_wait3A_227 = arith.constant 0 : i32
        %dma_wait3A_228 = tpu.memref_slice %arg2[%dma_wait3A_226, %dma_wait3A_227] : memref<64x1000001xf32, #tpu.memory_space<hbm>> -> memref<64x256xf32, #tpu.memory_space<hbm>>
        tpu.wait_dma2 semaphore(%arg11 : memref<!tpu.dma_semaphore, #tpu.memory_space<semaphore_mem>>) src(%dma_wait3A_228 : memref<64x256xf32, #tpu.memory_space<hbm>>) dst(%arg8 : memref<64x256xf32, #tpu.memory_space<vmem>>)
        %ge3A = arith.constant 2 : i32
        %ge3A_229 = arith.cmpi sge, %while3A_124, %ge3A : i32
        %convert_element_type3A_230 = arith.extui %ge3A_229 : i1 to i32
        %cond3A_231 = arith.constant 0 : i32
        %cond3A_232 = arith.cmpi ne, %convert_element_type3A_230, %cond3A_231 : i32
        scf.if %cond3A_232 {
          %dma_wait3A_237 = arith.constant 0 : i32
          %dma_wait3A_238 = tpu.memref_slice %arg4[%dma_wait3A_237] : memref<64001024xf32, #tpu.memory_space<hbm>> -> memref<16384xf32, #tpu.memory_space<hbm>>
          %dma_wait3A_239 = arith.constant 0 : i32
          %dma_wait3A_240 = tpu.memref_slice %arg4[%dma_wait3A_239] : memref<64001024xf32, #tpu.memory_space<hbm>> -> memref<16384xf32, #tpu.memory_space<hbm>>
          tpu.wait_dma2 semaphore(%arg12 : memref<!tpu.dma_semaphore, #tpu.memory_space<semaphore_mem>>) src(%arg9 : memref<16384xf32, #tpu.memory_space<vmem>>) dst(%dma_wait3A_240 : memref<16384xf32, #tpu.memory_space<hbm>>)
        } else {
        }
        %mul3A_233 = arith.constant 16384 : i32
        %mul3A_234 = arith.muli %add3A_128, %mul3A_233 : i32
        %dma_start3A_235 = tpu.memref_slice %arg4[%mul3A_234] : memref<64001024xf32, #tpu.memory_space<hbm>> -> memref<16384xf32, #tpu.memory_space<hbm>>
        %dma_start3A_236 = tpu.memref_slice %arg4[%mul3A_234] : memref<64001024xf32, #tpu.memory_space<hbm>> -> memref<16384xf32, #tpu.memory_space<hbm>>
        tpu.enqueue_dma source(%arg10 : memref<16384xf32, #tpu.memory_space<vmem>>) target(%dma_start3A_236 : memref<16384xf32, #tpu.memory_space<hbm>>) target_semaphore(%arg12 : memref<!tpu.dma_semaphore, #tpu.memory_space<semaphore_mem>>)
      } else {
      }
      %while3A_216 = arith.constant 0 : i32
      scf.yield %while3A_216 : i32
    }
    %dma_wait3A = arith.constant 0 : i32
    %dma_wait3A_96 = arith.constant 0 : i32
    %dma_wait3A_97 = tpu.memref_slice %arg2[%dma_wait3A, %dma_wait3A_96] : memref<64x1000001xf32, #tpu.memory_space<hbm>> -> memref<64x256xf32, #tpu.memory_space<hbm>>
    %dma_wait3A_98 = arith.constant 0 : i32
    %dma_wait3A_99 = arith.constant 0 : i32
    %dma_wait3A_100 = tpu.memref_slice %arg2[%dma_wait3A_98, %dma_wait3A_99] : memref<64x1000001xf32, #tpu.memory_space<hbm>> -> memref<64x256xf32, #tpu.memory_space<hbm>>
    tpu.wait_dma2 semaphore(%arg11 : memref<!tpu.dma_semaphore, #tpu.memory_space<semaphore_mem>>) src(%dma_wait3A_100 : memref<64x256xf32, #tpu.memory_space<hbm>>) dst(%arg5 : memref<64x256xf32, #tpu.memory_space<vmem>>)
    %dma_wait3A_101 = arith.constant 0 : i32
    %dma_wait3A_102 = arith.constant 0 : i32
    %dma_wait3A_103 = tpu.memref_slice %arg2[%dma_wait3A_101, %dma_wait3A_102] : memref<64x1000001xf32, #tpu.memory_space<hbm>> -> memref<64x256xf32, #tpu.memory_space<hbm>>
    %dma_wait3A_104 = arith.constant 0 : i32
    %dma_wait3A_105 = arith.constant 0 : i32
    %dma_wait3A_106 = tpu.memref_slice %arg2[%dma_wait3A_104, %dma_wait3A_105] : memref<64x1000001xf32, #tpu.memory_space<hbm>> -> memref<64x256xf32, #tpu.memory_space<hbm>>
    tpu.wait_dma2 semaphore(%arg11 : memref<!tpu.dma_semaphore, #tpu.memory_space<semaphore_mem>>) src(%dma_wait3A_106 : memref<64x256xf32, #tpu.memory_space<hbm>>) dst(%arg5 : memref<64x256xf32, #tpu.memory_space<vmem>>)
    %dma_wait3A_107 = arith.constant 0 : i32
    %dma_wait3A_108 = arith.constant 0 : i32
    %dma_wait3A_109 = tpu.memref_slice %arg2[%dma_wait3A_107, %dma_wait3A_108] : memref<64x1000001xf32, #tpu.memory_space<hbm>> -> memref<64x256xf32, #tpu.memory_space<hbm>>
    %dma_wait3A_110 = arith.constant 0 : i32
    %dma_wait3A_111 = arith.constant 0 : i32
    %dma_wait3A_112 = tpu.memref_slice %arg2[%dma_wait3A_110, %dma_wait3A_111] : memref<64x1000001xf32, #tpu.memory_space<hbm>> -> memref<64x256xf32, #tpu.memory_space<hbm>>
    tpu.wait_dma2 semaphore(%arg11 : memref<!tpu.dma_semaphore, #tpu.memory_space<semaphore_mem>>) src(%dma_wait3A_112 : memref<64x256xf32, #tpu.memory_space<hbm>>) dst(%arg5 : memref<64x256xf32, #tpu.memory_space<vmem>>)
    %dma_wait3A_113 = arith.constant 0 : i32
    %dma_wait3A_114 = tpu.memref_slice %arg4[%dma_wait3A_113] : memref<64001024xf32, #tpu.memory_space<hbm>> -> memref<16384xf32, #tpu.memory_space<hbm>>
    %dma_wait3A_115 = arith.constant 0 : i32
    %dma_wait3A_116 = tpu.memref_slice %arg4[%dma_wait3A_115] : memref<64001024xf32, #tpu.memory_space<hbm>> -> memref<16384xf32, #tpu.memory_space<hbm>>
    tpu.wait_dma2 semaphore(%arg12 : memref<!tpu.dma_semaphore, #tpu.memory_space<semaphore_mem>>) src(%arg9 : memref<16384xf32, #tpu.memory_space<vmem>>) dst(%dma_wait3A_116 : memref<16384xf32, #tpu.memory_space<hbm>>)
    %dma_wait3A_117 = arith.constant 0 : i32
    %dma_wait3A_118 = tpu.memref_slice %arg4[%dma_wait3A_117] : memref<64001024xf32, #tpu.memory_space<hbm>> -> memref<16384xf32, #tpu.memory_space<hbm>>
    %dma_wait3A_119 = arith.constant 0 : i32
    %dma_wait3A_120 = tpu.memref_slice %arg4[%dma_wait3A_119] : memref<64001024xf32, #tpu.memory_space<hbm>> -> memref<16384xf32, #tpu.memory_space<hbm>>
    tpu.wait_dma2 semaphore(%arg12 : memref<!tpu.dma_semaphore, #tpu.memory_space<semaphore_mem>>) src(%arg9 : memref<16384xf32, #tpu.memory_space<vmem>>) dst(%dma_wait3A_120 : memref<16384xf32, #tpu.memory_space<hbm>>)
    %eq3A_121 = arith.constant 2 : i32
    %eq3A_122 = arith.cmpi eq, %add3A, %eq3A_121 : i32
    %convert_element_type3A = arith.extui %eq3A_122 : i1 to i32
    %cond3A = arith.constant 0 : i32
    %cond3A_123 = arith.cmpi ne, %convert_element_type3A, %cond3A : i32
    scf.if %cond3A_123 {
      "tpu.region"() ({
        %run_scoped3A = tpu.sem_alloc : memref<!tpu.dma_semaphore, #tpu.memory_space<semaphore_mem>>
        %dma_start3A_124 = arith.constant 0 : i32
        %dma_start3A_125 = tpu.memref_slice %arg9[%dma_start3A_124] : memref<16384xf32, #tpu.memory_space<vmem>> -> memref<5120xf32, #tpu.memory_space<vmem>>
        %dma_start3A_126 = arith.constant 0 : i32
        %dma_start3A_127 = tpu.memref_slice %arg9[%dma_start3A_126] : memref<16384xf32, #tpu.memory_space<vmem>> -> memref<5120xf32, #tpu.memory_space<vmem>>
        tpu.enqueue_dma source(%arg3 : memref<5120xf32, #tpu.memory_space<hbm>>) target(%dma_start3A_127 : memref<5120xf32, #tpu.memory_space<vmem>>) target_semaphore(%run_scoped3A : memref<!tpu.dma_semaphore, #tpu.memory_space<semaphore_mem>>)
        %dma_wait3A_128 = arith.constant 0 : i32
        %dma_wait3A_129 = tpu.memref_slice %arg9[%dma_wait3A_128] : memref<16384xf32, #tpu.memory_space<vmem>> -> memref<5120xf32, #tpu.memory_space<vmem>>
        %dma_wait3A_130 = arith.constant 0 : i32
        %dma_wait3A_131 = tpu.memref_slice %arg9[%dma_wait3A_130] : memref<16384xf32, #tpu.memory_space<vmem>> -> memref<5120xf32, #tpu.memory_space<vmem>>
        tpu.wait_dma2 semaphore(%run_scoped3A : memref<!tpu.dma_semaphore, #tpu.memory_space<semaphore_mem>>) src(%arg3 : memref<5120xf32, #tpu.memory_space<hbm>>) dst(%dma_wait3A_131 : memref<5120xf32, #tpu.memory_space<vmem>>)
        tpu.yield
      }) : () -> ()
      "tpu.region"() ({
        %run_scoped3A = tpu.sem_alloc : memref<!tpu.dma_semaphore, #tpu.memory_space<semaphore_mem>>
        %dma_start3A_124 = arith.constant 0 : i32
        %dma_start3A_125 = tpu.memref_slice %arg9[%dma_start3A_124] : memref<16384xf32, #tpu.memory_space<vmem>> -> memref<5120xf32, #tpu.memory_space<vmem>>
        %dma_start3A_126 = arith.constant 63995904 : i32
        %dma_start3A_127 = tpu.memref_slice %arg4[%dma_start3A_126] : memref<64001024xf32, #tpu.memory_space<hbm>> -> memref<5120xf32, #tpu.memory_space<hbm>>
        %dma_start3A_128 = arith.constant 63995904 : i32
        %dma_start3A_129 = tpu.memref_slice %arg4[%dma_start3A_128] : memref<64001024xf32, #tpu.memory_space<hbm>> -> memref<5120xf32, #tpu.memory_space<hbm>>
        %dma_start3A_130 = arith.constant 0 : i32
        %dma_start3A_131 = tpu.memref_slice %arg9[%dma_start3A_130] : memref<16384xf32, #tpu.memory_space<vmem>> -> memref<5120xf32, #tpu.memory_space<vmem>>
        tpu.enqueue_dma source(%dma_start3A_131 : memref<5120xf32, #tpu.memory_space<vmem>>) target(%dma_start3A_129 : memref<5120xf32, #tpu.memory_space<hbm>>) target_semaphore(%run_scoped3A : memref<!tpu.dma_semaphore, #tpu.memory_space<semaphore_mem>>)
        %dma_wait3A_132 = arith.constant 0 : i32
        %dma_wait3A_133 = tpu.memref_slice %arg9[%dma_wait3A_132] : memref<16384xf32, #tpu.memory_space<vmem>> -> memref<5120xf32, #tpu.memory_space<vmem>>
        %dma_wait3A_134 = arith.constant 63995904 : i32
        %dma_wait3A_135 = tpu.memref_slice %arg4[%dma_wait3A_134] : memref<64001024xf32, #tpu.memory_space<hbm>> -> memref<5120xf32, #tpu.memory_space<hbm>>
        %dma_wait3A_136 = arith.constant 63995904 : i32
        %dma_wait3A_137 = tpu.memref_slice %arg4[%dma_wait3A_136] : memref<64001024xf32, #tpu.memory_space<hbm>> -> memref<5120xf32, #tpu.memory_space<hbm>>
        %dma_wait3A_138 = arith.constant 0 : i32
        %dma_wait3A_139 = tpu.memref_slice %arg9[%dma_wait3A_138] : memref<16384xf32, #tpu.memory_space<vmem>> -> memref<5120xf32, #tpu.memory_space<vmem>>
        tpu.wait_dma2 semaphore(%run_scoped3A : memref<!tpu.dma_semaphore, #tpu.memory_space<semaphore_mem>>) src(%dma_wait3A_139 : memref<5120xf32, #tpu.memory_space<vmem>>) dst(%dma_wait3A_137 : memref<5120xf32, #tpu.memory_space<hbm>>)
        tpu.yield
      }) : () -> ()
    } else {
    }
    return
  }
}

#map = affine_map<(d0, d1) -> (0, 0)>
module attributes {stable_mosaic.version = 14 : i64} {
  func.func @_pool_body(%arg0: i32, %arg1: i32, %arg2: memref<4096x200xi32, #tpu.memory_space<hbm>>, %arg3: memref<1000016x64xf32, #tpu.memory_space<hbm>>, %arg4: memref<4096x64xf32, #tpu.memory_space<hbm>>, %arg5: memref<128x200xi32, #tpu.memory_space<vmem>>, %arg6: memref<200x64xf32, #tpu.memory_space<vmem>>, %arg7: memref<200x64xf32, #tpu.memory_space<vmem>>, %arg8: memref<128x64xf32, #tpu.memory_space<vmem>>, %arg9: memref<!tpu.dma_semaphore, #tpu.memory_space<semaphore_mem>>, %arg10: memref<!tpu.dma_semaphore, #tpu.memory_space<semaphore_mem>>) attributes {dimension_semantics = [#tpu.dimension_semantics<core_parallel>, #tpu.dimension_semantics<subcore_parallel>], iteration_bounds = array<i64: 2, 16>, scalar_prefetch = 0 : i64, scratch_operands = 6 : i64, tpu.core_type = #tpu.core_type<sc_vector_subcore>, window_params = [{transform_indices = #map}, {transform_indices = #map}, {transform_indices = #map}]} {
    %mul3A = arith.constant 2 : i32
    %mul3A_0 = arith.muli %arg1, %mul3A : i32
    %add3A = arith.addi %mul3A_0, %arg0 : i32
    %mul3A_1 = arith.constant 128 : i32
    %mul3A_2 = arith.muli %add3A, %mul3A_1 : i32
    "tpu.region"() ({
      %run_scoped3A = tpu.sem_alloc : memref<!tpu.dma_semaphore, #tpu.memory_space<semaphore_mem>>
      %dma_start3A_33 = arith.constant 0 : i32
      %dma_start3A_34 = tpu.memref_slice %arg2[%mul3A_2, %dma_start3A_33] : memref<4096x200xi32, #tpu.memory_space<hbm>> -> memref<128x200xi32, #tpu.memory_space<hbm>>
      %dma_start3A_35 = arith.constant 0 : i32
      %dma_start3A_36 = tpu.memref_slice %arg2[%mul3A_2, %dma_start3A_35] : memref<4096x200xi32, #tpu.memory_space<hbm>> -> memref<128x200xi32, #tpu.memory_space<hbm>>
      tpu.enqueue_dma source(%dma_start3A_36 : memref<128x200xi32, #tpu.memory_space<hbm>>) target(%arg5 : memref<128x200xi32, #tpu.memory_space<vmem>>) target_semaphore(%run_scoped3A : memref<!tpu.dma_semaphore, #tpu.memory_space<semaphore_mem>>)
      %dma_wait3A_37 = arith.constant 0 : i32
      %dma_wait3A_38 = tpu.memref_slice %arg2[%mul3A_2, %dma_wait3A_37] : memref<4096x200xi32, #tpu.memory_space<hbm>> -> memref<128x200xi32, #tpu.memory_space<hbm>>
      %dma_wait3A_39 = arith.constant 0 : i32
      %dma_wait3A_40 = tpu.memref_slice %arg2[%mul3A_2, %dma_wait3A_39] : memref<4096x200xi32, #tpu.memory_space<hbm>> -> memref<128x200xi32, #tpu.memory_space<hbm>>
      tpu.wait_dma2 semaphore(%run_scoped3A : memref<!tpu.dma_semaphore, #tpu.memory_space<semaphore_mem>>) src(%dma_wait3A_40 : memref<128x200xi32, #tpu.memory_space<hbm>>) dst(%arg5 : memref<128x200xi32, #tpu.memory_space<vmem>>)
      tpu.yield
    }) : () -> ()
    %dma_start3A = arith.constant 0 : i32
    %dma_start3A_3 = arith.constant 0 : i32
    %dma_start3A_4 = arith.constant 0 : i32
    %dma_start3A_5 = tpu.memref_slice %arg6[%dma_start3A_3, %dma_start3A_4] : memref<200x64xf32, #tpu.memory_space<vmem>> -> memref<128x64xf32, #tpu.memory_space<vmem>>
    %dma_start3A_6 = arith.constant 0 : i32
    %dma_start3A_7 = tpu.memref_slice %arg5[%dma_start3A, %dma_start3A_6] : memref<128x200xi32, #tpu.memory_space<vmem>> -> memref<1x128xi32, #tpu.memory_space<vmem>>
    %dma_start3A_8 = tpu.memref_squeeze %dma_start3A_7 : memref<1x128xi32, #tpu.memory_space<vmem>> -> memref<128xi32, #tpu.memory_space<vmem>>
    %dma_start3A_9 = arith.constant 0 : i32
    %dma_start3A_10 = arith.constant 0 : i32
    %dma_start3A_11 = tpu.memref_slice %arg3[%dma_start3A_9, %dma_start3A_10] : memref<1000016x64xf32, #tpu.memory_space<hbm>> -> memref<1000016x64xf32, #tpu.memory_space<hbm>>
    tpu.enqueue_indirect_dma source(%dma_start3A_11 : memref<1000016x64xf32, #tpu.memory_space<hbm>>) target(%dma_start3A_5 : memref<128x64xf32, #tpu.memory_space<vmem>>) offsets(%dma_start3A_8 : memref<128xi32, #tpu.memory_space<vmem>>) semaphore(%arg9 : memref<!tpu.dma_semaphore, #tpu.memory_space<semaphore_mem>>)
    %dma_start3A_12 = arith.constant 0 : i32
    %dma_start3A_13 = arith.constant 128 : i32
    %dma_start3A_14 = arith.constant 0 : i32
    %dma_start3A_15 = tpu.memref_slice %arg6[%dma_start3A_13, %dma_start3A_14] : memref<200x64xf32, #tpu.memory_space<vmem>> -> memref<72x64xf32, #tpu.memory_space<vmem>>
    %dma_start3A_16 = arith.constant 128 : i32
    %dma_start3A_17 = tpu.memref_slice %arg5[%dma_start3A_12, %dma_start3A_16] : memref<128x200xi32, #tpu.memory_space<vmem>> -> memref<1x72xi32, #tpu.memory_space<vmem>>
    %dma_start3A_18 = tpu.memref_squeeze %dma_start3A_17 : memref<1x72xi32, #tpu.memory_space<vmem>> -> memref<72xi32, #tpu.memory_space<vmem>>
    %dma_start3A_19 = arith.constant 0 : i32
    %dma_start3A_20 = arith.constant 0 : i32
    %dma_start3A_21 = tpu.memref_slice %arg3[%dma_start3A_19, %dma_start3A_20] : memref<1000016x64xf32, #tpu.memory_space<hbm>> -> memref<1000016x64xf32, #tpu.memory_space<hbm>>
    tpu.enqueue_indirect_dma source(%dma_start3A_21 : memref<1000016x64xf32, #tpu.memory_space<hbm>>) target(%dma_start3A_15 : memref<72x64xf32, #tpu.memory_space<vmem>>) offsets(%dma_start3A_18 : memref<72xi32, #tpu.memory_space<vmem>>) semaphore(%arg9 : memref<!tpu.dma_semaphore, #tpu.memory_space<semaphore_mem>>)
    %scan3A = arith.constant 0 : i32
    %scan3A_22 = arith.constant 0 : i32
    %scan3A_23 = arith.constant 64 : i32
    %scan3A_24 = arith.addi %scan3A_22, %scan3A_23 : i32
    %scan3A_25 = arith.constant 1 : i32
    %scan3A_26 = scf.for %scan3A_33 = %scan3A_22 to %scan3A_24 step %scan3A_25 iter_args(%scan3A_34 = %scan3A) -> (i32)  : i32 {
      %mul3A_35 = arith.constant 2 : i32
      %mul3A_36 = arith.muli %mul3A_35, %scan3A_33 : i32
      %add3A_37 = arith.constant 1 : i32
      %add3A_38 = arith.addi %mul3A_36, %add3A_37 : i32
      %dma_start3A_39 = arith.constant 0 : i32
      %dma_start3A_40 = arith.constant 0 : i32
      %dma_start3A_41 = tpu.memref_slice %arg7[%dma_start3A_39, %dma_start3A_40] : memref<200x64xf32, #tpu.memory_space<vmem>> -> memref<128x64xf32, #tpu.memory_space<vmem>>
      %dma_start3A_42 = arith.constant 0 : i32
      %dma_start3A_43 = tpu.memref_slice %arg5[%add3A_38, %dma_start3A_42] : memref<128x200xi32, #tpu.memory_space<vmem>> -> memref<1x128xi32, #tpu.memory_space<vmem>>
      %dma_start3A_44 = tpu.memref_squeeze %dma_start3A_43 : memref<1x128xi32, #tpu.memory_space<vmem>> -> memref<128xi32, #tpu.memory_space<vmem>>
      %dma_start3A_45 = arith.constant 0 : i32
      %dma_start3A_46 = arith.constant 0 : i32
      %dma_start3A_47 = tpu.memref_slice %arg3[%dma_start3A_45, %dma_start3A_46] : memref<1000016x64xf32, #tpu.memory_space<hbm>> -> memref<1000016x64xf32, #tpu.memory_space<hbm>>
      tpu.enqueue_indirect_dma source(%dma_start3A_47 : memref<1000016x64xf32, #tpu.memory_space<hbm>>) target(%dma_start3A_41 : memref<128x64xf32, #tpu.memory_space<vmem>>) offsets(%dma_start3A_44 : memref<128xi32, #tpu.memory_space<vmem>>) semaphore(%arg10 : memref<!tpu.dma_semaphore, #tpu.memory_space<semaphore_mem>>)
      %dma_start3A_48 = arith.constant 128 : i32
      %dma_start3A_49 = arith.constant 0 : i32
      %dma_start3A_50 = tpu.memref_slice %arg7[%dma_start3A_48, %dma_start3A_49] : memref<200x64xf32, #tpu.memory_space<vmem>> -> memref<72x64xf32, #tpu.memory_space<vmem>>
      %dma_start3A_51 = arith.constant 128 : i32
      %dma_start3A_52 = tpu.memref_slice %arg5[%add3A_38, %dma_start3A_51] : memref<128x200xi32, #tpu.memory_space<vmem>> -> memref<1x72xi32, #tpu.memory_space<vmem>>
      %dma_start3A_53 = tpu.memref_squeeze %dma_start3A_52 : memref<1x72xi32, #tpu.memory_space<vmem>> -> memref<72xi32, #tpu.memory_space<vmem>>
      %dma_start3A_54 = arith.constant 0 : i32
      %dma_start3A_55 = arith.constant 0 : i32
      %dma_start3A_56 = tpu.memref_slice %arg3[%dma_start3A_54, %dma_start3A_55] : memref<1000016x64xf32, #tpu.memory_space<hbm>> -> memref<1000016x64xf32, #tpu.memory_space<hbm>>
      tpu.enqueue_indirect_dma source(%dma_start3A_56 : memref<1000016x64xf32, #tpu.memory_space<hbm>>) target(%dma_start3A_50 : memref<72x64xf32, #tpu.memory_space<vmem>>) offsets(%dma_start3A_53 : memref<72xi32, #tpu.memory_space<vmem>>) semaphore(%arg10 : memref<!tpu.dma_semaphore, #tpu.memory_space<semaphore_mem>>)
      %dma_wait3A_57 = arith.constant 0 : i32
      %dma_wait3A_58 = arith.constant 0 : i32
      %dma_wait3A_59 = tpu.memref_slice %arg3[%dma_wait3A_57, %dma_wait3A_58] : memref<1000016x64xf32, #tpu.memory_space<hbm>> -> memref<200x64xf32, #tpu.memory_space<hbm>>
      %dma_wait3A_60 = arith.constant 0 : i32
      %dma_wait3A_61 = arith.constant 0 : i32
      %dma_wait3A_62 = tpu.memref_slice %arg3[%dma_wait3A_60, %dma_wait3A_61] : memref<1000016x64xf32, #tpu.memory_space<hbm>> -> memref<200x64xf32, #tpu.memory_space<hbm>>
      tpu.wait_dma2 semaphore(%arg9 : memref<!tpu.dma_semaphore, #tpu.memory_space<semaphore_mem>>) src(%dma_wait3A_62 : memref<200x64xf32, #tpu.memory_space<hbm>>) dst(%arg6 : memref<200x64xf32, #tpu.memory_space<vmem>>)
      %broadcast_in_dim3A = arith.constant 0.000000e+00 : f32
      %broadcast_in_dim3A_63 = vector.broadcast %broadcast_in_dim3A : f32 to vector<16xf32>
      %scan3A_64 = arith.constant 0 : i32
      %scan3A_65 = arith.constant 200 : i32
      %scan3A_66 = arith.addi %scan3A_64, %scan3A_65 : i32
      %scan3A_67 = arith.constant 8 : i32
      %scan3A_68:4 = scf.for %scan3A_145 = %scan3A_64 to %scan3A_66 step %scan3A_67 iter_args(%scan3A_146 = %broadcast_in_dim3A_63, %scan3A_147 = %broadcast_in_dim3A_63, %scan3A_148 = %broadcast_in_dim3A_63, %scan3A_149 = %broadcast_in_dim3A_63) -> (vector<16xf32>, vector<16xf32>, vector<16xf32>, vector<16xf32>)  : i32 {
        %get3A = arith.index_cast %scan3A_145 : i32 to index
        %get3A_150 = arith.constant 0 : index
        %get3A_151 = tpu.vector_load %arg6[%get3A, %get3A_150] {strides = array<i32>} : memref<200x64xf32, #tpu.memory_space<vmem>>, vector<1x16xf32>,
        %get3A_152 = vector.shape_cast %get3A_151 : vector<1x16xf32> to vector<16xf32>
        %add3A_153 = arith.addf %scan3A_146, %get3A_152 : vector<16xf32>
        %get3A_154 = arith.index_cast %scan3A_145 : i32 to index
        %get3A_155 = arith.constant 16 : index
        %get3A_156 = tpu.vector_load %arg6[%get3A_154, %get3A_155] {strides = array<i32>} : memref<200x64xf32, #tpu.memory_space<vmem>>, vector<1x16xf32>,
        %get3A_157 = vector.shape_cast %get3A_156 : vector<1x16xf32> to vector<16xf32>
        %add3A_158 = arith.addf %scan3A_147, %get3A_157 : vector<16xf32>
        %get3A_159 = arith.index_cast %scan3A_145 : i32 to index
        %get3A_160 = arith.constant 32 : index
        %get3A_161 = tpu.vector_load %arg6[%get3A_159, %get3A_160] {strides = array<i32>} : memref<200x64xf32, #tpu.memory_space<vmem>>, vector<1x16xf32>,
        %get3A_162 = vector.shape_cast %get3A_161 : vector<1x16xf32> to vector<16xf32>
        %add3A_163 = arith.addf %scan3A_148, %get3A_162 : vector<16xf32>
        %get3A_164 = arith.index_cast %scan3A_145 : i32 to index
        %get3A_165 = arith.constant 48 : index
        %get3A_166 = tpu.vector_load %arg6[%get3A_164, %get3A_165] {strides = array<i32>} : memref<200x64xf32, #tpu.memory_space<vmem>>, vector<1x16xf32>,
        %get3A_167 = vector.shape_cast %get3A_166 : vector<1x16xf32> to vector<16xf32>
        %add3A_168 = arith.addf %scan3A_149, %get3A_167 : vector<16xf32>
        %scan3A_169 = arith.constant 1 : i32
        %scan3A_170 = arith.addi %scan3A_145, %scan3A_169 : i32
        %get3A_171 = arith.index_cast %scan3A_170 : i32 to index
        %get3A_172 = arith.constant 0 : index
        %get3A_173 = tpu.vector_load %arg6[%get3A_171, %get3A_172] {strides = array<i32>} : memref<200x64xf32, #tpu.memory_space<vmem>>, vector<1x16xf32>,
        %get3A_174 = vector.shape_cast %get3A_173 : vector<1x16xf32> to vector<16xf32>
        %add3A_175 = arith.addf %add3A_153, %get3A_174 : vector<16xf32>
        %get3A_176 = arith.index_cast %scan3A_170 : i32 to index
        %get3A_177 = arith.constant 16 : index
        %get3A_178 = tpu.vector_load %arg6[%get3A_176, %get3A_177] {strides = array<i32>} : memref<200x64xf32, #tpu.memory_space<vmem>>, vector<1x16xf32>,
        %get3A_179 = vector.shape_cast %get3A_178 : vector<1x16xf32> to vector<16xf32>
        %add3A_180 = arith.addf %add3A_158, %get3A_179 : vector<16xf32>
        %get3A_181 = arith.index_cast %scan3A_170 : i32 to index
        %get3A_182 = arith.constant 32 : index
        %get3A_183 = tpu.vector_load %arg6[%get3A_181, %get3A_182] {strides = array<i32>} : memref<200x64xf32, #tpu.memory_space<vmem>>, vector<1x16xf32>,
        %get3A_184 = vector.shape_cast %get3A_183 : vector<1x16xf32> to vector<16xf32>
        %add3A_185 = arith.addf %add3A_163, %get3A_184 : vector<16xf32>
        %get3A_186 = arith.index_cast %scan3A_170 : i32 to index
        %get3A_187 = arith.constant 48 : index
        %get3A_188 = tpu.vector_load %arg6[%get3A_186, %get3A_187] {strides = array<i32>} : memref<200x64xf32, #tpu.memory_space<vmem>>, vector<1x16xf32>,
        %get3A_189 = vector.shape_cast %get3A_188 : vector<1x16xf32> to vector<16xf32>
        %add3A_190 = arith.addf %add3A_168, %get3A_189 : vector<16xf32>
        %scan3A_191 = arith.constant 2 : i32
        %scan3A_192 = arith.addi %scan3A_145, %scan3A_191 : i32
        %get3A_193 = arith.index_cast %scan3A_192 : i32 to index
        %get3A_194 = arith.constant 0 : index
        %get3A_195 = tpu.vector_load %arg6[%get3A_193, %get3A_194] {strides = array<i32>} : memref<200x64xf32, #tpu.memory_space<vmem>>, vector<1x16xf32>,
        %get3A_196 = vector.shape_cast %get3A_195 : vector<1x16xf32> to vector<16xf32>
        %add3A_197 = arith.addf %add3A_175, %get3A_196 : vector<16xf32>
        %get3A_198 = arith.index_cast %scan3A_192 : i32 to index
        %get3A_199 = arith.constant 16 : index
        %get3A_200 = tpu.vector_load %arg6[%get3A_198, %get3A_199] {strides = array<i32>} : memref<200x64xf32, #tpu.memory_space<vmem>>, vector<1x16xf32>,
        %get3A_201 = vector.shape_cast %get3A_200 : vector<1x16xf32> to vector<16xf32>
        %add3A_202 = arith.addf %add3A_180, %get3A_201 : vector<16xf32>
        %get3A_203 = arith.index_cast %scan3A_192 : i32 to index
        %get3A_204 = arith.constant 32 : index
        %get3A_205 = tpu.vector_load %arg6[%get3A_203, %get3A_204] {strides = array<i32>} : memref<200x64xf32, #tpu.memory_space<vmem>>, vector<1x16xf32>,
        %get3A_206 = vector.shape_cast %get3A_205 : vector<1x16xf32> to vector<16xf32>
        %add3A_207 = arith.addf %add3A_185, %get3A_206 : vector<16xf32>
        %get3A_208 = arith.index_cast %scan3A_192 : i32 to index
        %get3A_209 = arith.constant 48 : index
        %get3A_210 = tpu.vector_load %arg6[%get3A_208, %get3A_209] {strides = array<i32>} : memref<200x64xf32, #tpu.memory_space<vmem>>, vector<1x16xf32>,
        %get3A_211 = vector.shape_cast %get3A_210 : vector<1x16xf32> to vector<16xf32>
        %add3A_212 = arith.addf %add3A_190, %get3A_211 : vector<16xf32>
        %scan3A_213 = arith.constant 3 : i32
        %scan3A_214 = arith.addi %scan3A_145, %scan3A_213 : i32
        %get3A_215 = arith.index_cast %scan3A_214 : i32 to index
        %get3A_216 = arith.constant 0 : index
        %get3A_217 = tpu.vector_load %arg6[%get3A_215, %get3A_216] {strides = array<i32>} : memref<200x64xf32, #tpu.memory_space<vmem>>, vector<1x16xf32>,
        %get3A_218 = vector.shape_cast %get3A_217 : vector<1x16xf32> to vector<16xf32>
        %add3A_219 = arith.addf %add3A_197, %get3A_218 : vector<16xf32>
        %get3A_220 = arith.index_cast %scan3A_214 : i32 to index
        %get3A_221 = arith.constant 16 : index
        %get3A_222 = tpu.vector_load %arg6[%get3A_220, %get3A_221] {strides = array<i32>} : memref<200x64xf32, #tpu.memory_space<vmem>>, vector<1x16xf32>,
        %get3A_223 = vector.shape_cast %get3A_222 : vector<1x16xf32> to vector<16xf32>
        %add3A_224 = arith.addf %add3A_202, %get3A_223 : vector<16xf32>
        %get3A_225 = arith.index_cast %scan3A_214 : i32 to index
        %get3A_226 = arith.constant 32 : index
        %get3A_227 = tpu.vector_load %arg6[%get3A_225, %get3A_226] {strides = array<i32>} : memref<200x64xf32, #tpu.memory_space<vmem>>, vector<1x16xf32>,
        %get3A_228 = vector.shape_cast %get3A_227 : vector<1x16xf32> to vector<16xf32>
        %add3A_229 = arith.addf %add3A_207, %get3A_228 : vector<16xf32>
        %get3A_230 = arith.index_cast %scan3A_214 : i32 to index
        %get3A_231 = arith.constant 48 : index
        %get3A_232 = tpu.vector_load %arg6[%get3A_230, %get3A_231] {strides = array<i32>} : memref<200x64xf32, #tpu.memory_space<vmem>>, vector<1x16xf32>,
        %get3A_233 = vector.shape_cast %get3A_232 : vector<1x16xf32> to vector<16xf32>
        %add3A_234 = arith.addf %add3A_212, %get3A_233 : vector<16xf32>
        %scan3A_235 = arith.constant 4 : i32
        %scan3A_236 = arith.addi %scan3A_145, %scan3A_235 : i32
        %get3A_237 = arith.index_cast %scan3A_236 : i32 to index
        %get3A_238 = arith.constant 0 : index
        %get3A_239 = tpu.vector_load %arg6[%get3A_237, %get3A_238] {strides = array<i32>} : memref<200x64xf32, #tpu.memory_space<vmem>>, vector<1x16xf32>,
        %get3A_240 = vector.shape_cast %get3A_239 : vector<1x16xf32> to vector<16xf32>
        %add3A_241 = arith.addf %add3A_219, %get3A_240 : vector<16xf32>
        %get3A_242 = arith.index_cast %scan3A_236 : i32 to index
        %get3A_243 = arith.constant 16 : index
        %get3A_244 = tpu.vector_load %arg6[%get3A_242, %get3A_243] {strides = array<i32>} : memref<200x64xf32, #tpu.memory_space<vmem>>, vector<1x16xf32>,
        %get3A_245 = vector.shape_cast %get3A_244 : vector<1x16xf32> to vector<16xf32>
        %add3A_246 = arith.addf %add3A_224, %get3A_245 : vector<16xf32>
        %get3A_247 = arith.index_cast %scan3A_236 : i32 to index
        %get3A_248 = arith.constant 32 : index
        %get3A_249 = tpu.vector_load %arg6[%get3A_247, %get3A_248] {strides = array<i32>} : memref<200x64xf32, #tpu.memory_space<vmem>>, vector<1x16xf32>,
        %get3A_250 = vector.shape_cast %get3A_249 : vector<1x16xf32> to vector<16xf32>
        %add3A_251 = arith.addf %add3A_229, %get3A_250 : vector<16xf32>
        %get3A_252 = arith.index_cast %scan3A_236 : i32 to index
        %get3A_253 = arith.constant 48 : index
        %get3A_254 = tpu.vector_load %arg6[%get3A_252, %get3A_253] {strides = array<i32>} : memref<200x64xf32, #tpu.memory_space<vmem>>, vector<1x16xf32>,
        %get3A_255 = vector.shape_cast %get3A_254 : vector<1x16xf32> to vector<16xf32>
        %add3A_256 = arith.addf %add3A_234, %get3A_255 : vector<16xf32>
        %scan3A_257 = arith.constant 5 : i32
        %scan3A_258 = arith.addi %scan3A_145, %scan3A_257 : i32
        %get3A_259 = arith.index_cast %scan3A_258 : i32 to index
        %get3A_260 = arith.constant 0 : index
        %get3A_261 = tpu.vector_load %arg6[%get3A_259, %get3A_260] {strides = array<i32>} : memref<200x64xf32, #tpu.memory_space<vmem>>, vector<1x16xf32>,
        %get3A_262 = vector.shape_cast %get3A_261 : vector<1x16xf32> to vector<16xf32>
        %add3A_263 = arith.addf %add3A_241, %get3A_262 : vector<16xf32>
        %get3A_264 = arith.index_cast %scan3A_258 : i32 to index
        %get3A_265 = arith.constant 16 : index
        %get3A_266 = tpu.vector_load %arg6[%get3A_264, %get3A_265] {strides = array<i32>} : memref<200x64xf32, #tpu.memory_space<vmem>>, vector<1x16xf32>,
        %get3A_267 = vector.shape_cast %get3A_266 : vector<1x16xf32> to vector<16xf32>
        %add3A_268 = arith.addf %add3A_246, %get3A_267 : vector<16xf32>
        %get3A_269 = arith.index_cast %scan3A_258 : i32 to index
        %get3A_270 = arith.constant 32 : index
        %get3A_271 = tpu.vector_load %arg6[%get3A_269, %get3A_270] {strides = array<i32>} : memref<200x64xf32, #tpu.memory_space<vmem>>, vector<1x16xf32>,
        %get3A_272 = vector.shape_cast %get3A_271 : vector<1x16xf32> to vector<16xf32>
        %add3A_273 = arith.addf %add3A_251, %get3A_272 : vector<16xf32>
        %get3A_274 = arith.index_cast %scan3A_258 : i32 to index
        %get3A_275 = arith.constant 48 : index
        %get3A_276 = tpu.vector_load %arg6[%get3A_274, %get3A_275] {strides = array<i32>} : memref<200x64xf32, #tpu.memory_space<vmem>>, vector<1x16xf32>,
        %get3A_277 = vector.shape_cast %get3A_276 : vector<1x16xf32> to vector<16xf32>
        %add3A_278 = arith.addf %add3A_256, %get3A_277 : vector<16xf32>
        %scan3A_279 = arith.constant 6 : i32
        %scan3A_280 = arith.addi %scan3A_145, %scan3A_279 : i32
        %get3A_281 = arith.index_cast %scan3A_280 : i32 to index
        %get3A_282 = arith.constant 0 : index
        %get3A_283 = tpu.vector_load %arg6[%get3A_281, %get3A_282] {strides = array<i32>} : memref<200x64xf32, #tpu.memory_space<vmem>>, vector<1x16xf32>,
        %get3A_284 = vector.shape_cast %get3A_283 : vector<1x16xf32> to vector<16xf32>
        %add3A_285 = arith.addf %add3A_263, %get3A_284 : vector<16xf32>
        %get3A_286 = arith.index_cast %scan3A_280 : i32 to index
        %get3A_287 = arith.constant 16 : index
        %get3A_288 = tpu.vector_load %arg6[%get3A_286, %get3A_287] {strides = array<i32>} : memref<200x64xf32, #tpu.memory_space<vmem>>, vector<1x16xf32>,
        %get3A_289 = vector.shape_cast %get3A_288 : vector<1x16xf32> to vector<16xf32>
        %add3A_290 = arith.addf %add3A_268, %get3A_289 : vector<16xf32>
        %get3A_291 = arith.index_cast %scan3A_280 : i32 to index
        %get3A_292 = arith.constant 32 : index
        %get3A_293 = tpu.vector_load %arg6[%get3A_291, %get3A_292] {strides = array<i32>} : memref<200x64xf32, #tpu.memory_space<vmem>>, vector<1x16xf32>,
        %get3A_294 = vector.shape_cast %get3A_293 : vector<1x16xf32> to vector<16xf32>
        %add3A_295 = arith.addf %add3A_273, %get3A_294 : vector<16xf32>
        %get3A_296 = arith.index_cast %scan3A_280 : i32 to index
        %get3A_297 = arith.constant 48 : index
        %get3A_298 = tpu.vector_load %arg6[%get3A_296, %get3A_297] {strides = array<i32>} : memref<200x64xf32, #tpu.memory_space<vmem>>, vector<1x16xf32>,
        %get3A_299 = vector.shape_cast %get3A_298 : vector<1x16xf32> to vector<16xf32>
        %add3A_300 = arith.addf %add3A_278, %get3A_299 : vector<16xf32>
        %scan3A_301 = arith.constant 7 : i32
        %scan3A_302 = arith.addi %scan3A_145, %scan3A_301 : i32
        %get3A_303 = arith.index_cast %scan3A_302 : i32 to index
        %get3A_304 = arith.constant 0 : index
        %get3A_305 = tpu.vector_load %arg6[%get3A_303, %get3A_304] {strides = array<i32>} : memref<200x64xf32, #tpu.memory_space<vmem>>, vector<1x16xf32>,
        %get3A_306 = vector.shape_cast %get3A_305 : vector<1x16xf32> to vector<16xf32>
        %add3A_307 = arith.addf %add3A_285, %get3A_306 : vector<16xf32>
        %get3A_308 = arith.index_cast %scan3A_302 : i32 to index
        %get3A_309 = arith.constant 16 : index
        %get3A_310 = tpu.vector_load %arg6[%get3A_308, %get3A_309] {strides = array<i32>} : memref<200x64xf32, #tpu.memory_space<vmem>>, vector<1x16xf32>,
        %get3A_311 = vector.shape_cast %get3A_310 : vector<1x16xf32> to vector<16xf32>
        %add3A_312 = arith.addf %add3A_290, %get3A_311 : vector<16xf32>
        %get3A_313 = arith.index_cast %scan3A_302 : i32 to index
        %get3A_314 = arith.constant 32 : index
        %get3A_315 = tpu.vector_load %arg6[%get3A_313, %get3A_314] {strides = array<i32>} : memref<200x64xf32, #tpu.memory_space<vmem>>, vector<1x16xf32>,
        %get3A_316 = vector.shape_cast %get3A_315 : vector<1x16xf32> to vector<16xf32>
        %add3A_317 = arith.addf %add3A_295, %get3A_316 : vector<16xf32>
        %get3A_318 = arith.index_cast %scan3A_302 : i32 to index
        %get3A_319 = arith.constant 48 : index
        %get3A_320 = tpu.vector_load %arg6[%get3A_318, %get3A_319] {strides = array<i32>} : memref<200x64xf32, #tpu.memory_space<vmem>>, vector<1x16xf32>,
        %get3A_321 = vector.shape_cast %get3A_320 : vector<1x16xf32> to vector<16xf32>
        %add3A_322 = arith.addf %add3A_300, %get3A_321 : vector<16xf32>
        scf.yield %add3A_307, %add3A_312, %add3A_317, %add3A_322 : vector<16xf32>, vector<16xf32>, vector<16xf32>, vector<16xf32>
      }
      %scan3A_69 = arith.constant 200 : i32
      %swap3A = arith.index_cast %mul3A_36 : i32 to index
      %swap3A_70 = arith.constant 0 : index
      %swap3A_71 = tpu.vector_load %arg8[%swap3A, %swap3A_70] {strides = array<i32>} : memref<128x64xf32, #tpu.memory_space<vmem>>, vector<1x16xf32>,
      %swap3A_72 = vector.shape_cast %swap3A_71 : vector<1x16xf32> to vector<16xf32>
      %swap3A_73 = vector.shape_cast %scan3A_68#0 : vector<16xf32> to vector<1x16xf32>
      tpu.vector_store %arg8[%swap3A, %swap3A_70], %swap3A_73 {strides = array<i32>} : memref<128x64xf32, #tpu.memory_space<vmem>>, vector<1x16xf32>,
      %swap3A_74 = arith.index_cast %mul3A_36 : i32 to index
      %swap3A_75 = arith.constant 16 : index
      %swap3A_76 = tpu.vector_load %arg8[%swap3A_74, %swap3A_75] {strides = array<i32>} : memref<128x64xf32, #tpu.memory_space<vmem>>, vector<1x16xf32>,
      %swap3A_77 = vector.shape_cast %swap3A_76 : vector<1x16xf32> to vector<16xf32>
      %swap3A_78 = vector.shape_cast %scan3A_68#1 : vector<16xf32> to vector<1x16xf32>
      tpu.vector_store %arg8[%swap3A_74, %swap3A_75], %swap3A_78 {strides = array<i32>} : memref<128x64xf32, #tpu.memory_space<vmem>>, vector<1x16xf32>,
      %swap3A_79 = arith.index_cast %mul3A_36 : i32 to index
      %swap3A_80 = arith.constant 32 : index
      %swap3A_81 = tpu.vector_load %arg8[%swap3A_79, %swap3A_80] {strides = array<i32>} : memref<128x64xf32, #tpu.memory_space<vmem>>, vector<1x16xf32>,
      %swap3A_82 = vector.shape_cast %swap3A_81 : vector<1x16xf32> to vector<16xf32>
      %swap3A_83 = vector.shape_cast %scan3A_68#2 : vector<16xf32> to vector<1x16xf32>
      tpu.vector_store %arg8[%swap3A_79, %swap3A_80], %swap3A_83 {strides = array<i32>} : memref<128x64xf32, #tpu.memory_space<vmem>>, vector<1x16xf32>,
      %swap3A_84 = arith.index_cast %mul3A_36 : i32 to index
      %swap3A_85 = arith.constant 48 : index
      %swap3A_86 = tpu.vector_load %arg8[%swap3A_84, %swap3A_85] {strides = array<i32>} : memref<128x64xf32, #tpu.memory_space<vmem>>, vector<1x16xf32>,
      %swap3A_87 = vector.shape_cast %swap3A_86 : vector<1x16xf32> to vector<16xf32>
      %swap3A_88 = vector.shape_cast %scan3A_68#3 : vector<16xf32> to vector<1x16xf32>
      tpu.vector_store %arg8[%swap3A_84, %swap3A_85], %swap3A_88 {strides = array<i32>} : memref<128x64xf32, #tpu.memory_space<vmem>>, vector<1x16xf32>,
      %add3A_89 = arith.constant 2 : i32
      %add3A_90 = arith.addi %mul3A_36, %add3A_89 : i32
      %min3A = arith.constant 127 : i32
      %min3A_91 = arith.minsi %add3A_90, %min3A : i32
      %dma_start3A_92 = arith.constant 0 : i32
      %dma_start3A_93 = arith.constant 0 : i32
      %dma_start3A_94 = tpu.memref_slice %arg6[%dma_start3A_92, %dma_start3A_93] : memref<200x64xf32, #tpu.memory_space<vmem>> -> memref<128x64xf32, #tpu.memory_space<vmem>>
      %dma_start3A_95 = arith.constant 0 : i32
      %dma_start3A_96 = tpu.memref_slice %arg5[%min3A_91, %dma_start3A_95] : memref<128x200xi32, #tpu.memory_space<vmem>> -> memref<1x128xi32, #tpu.memory_space<vmem>>
      %dma_start3A_97 = tpu.memref_squeeze %dma_start3A_96 : memref<1x128xi32, #tpu.memory_space<vmem>> -> memref<128xi32, #tpu.memory_space<vmem>>
      %dma_start3A_98 = arith.constant 0 : i32
      %dma_start3A_99 = arith.constant 0 : i32
      %dma_start3A_100 = tpu.memref_slice %arg3[%dma_start3A_98, %dma_start3A_99] : memref<1000016x64xf32, #tpu.memory_space<hbm>> -> memref<1000016x64xf32, #tpu.memory_space<hbm>>
      tpu.enqueue_indirect_dma source(%dma_start3A_100 : memref<1000016x64xf32, #tpu.memory_space<hbm>>) target(%dma_start3A_94 : memref<128x64xf32, #tpu.memory_space<vmem>>) offsets(%dma_start3A_97 : memref<128xi32, #tpu.memory_space<vmem>>) semaphore(%arg9 : memref<!tpu.dma_semaphore, #tpu.memory_space<semaphore_mem>>)
      %dma_start3A_101 = arith.constant 128 : i32
      %dma_start3A_102 = arith.constant 0 : i32
      %dma_start3A_103 = tpu.memref_slice %arg6[%dma_start3A_101, %dma_start3A_102] : memref<200x64xf32, #tpu.memory_space<vmem>> -> memref<72x64xf32, #tpu.memory_space<vmem>>
      %dma_start3A_104 = arith.constant 128 : i32
      %dma_start3A_105 = tpu.memref_slice %arg5[%min3A_91, %dma_start3A_104] : memref<128x200xi32, #tpu.memory_space<vmem>> -> memref<1x72xi32, #tpu.memory_space<vmem>>
      %dma_start3A_106 = tpu.memref_squeeze %dma_start3A_105 : memref<1x72xi32, #tpu.memory_space<vmem>> -> memref<72xi32, #tpu.memory_space<vmem>>
      %dma_start3A_107 = arith.constant 0 : i32
      %dma_start3A_108 = arith.constant 0 : i32
      %dma_start3A_109 = tpu.memref_slice %arg3[%dma_start3A_107, %dma_start3A_108] : memref<1000016x64xf32, #tpu.memory_space<hbm>> -> memref<1000016x64xf32, #tpu.memory_space<hbm>>
      tpu.enqueue_indirect_dma source(%dma_start3A_109 : memref<1000016x64xf32, #tpu.memory_space<hbm>>) target(%dma_start3A_103 : memref<72x64xf32, #tpu.memory_space<vmem>>) offsets(%dma_start3A_106 : memref<72xi32, #tpu.memory_space<vmem>>) semaphore(%arg9 : memref<!tpu.dma_semaphore, #tpu.memory_space<semaphore_mem>>)
      %dma_wait3A_110 = arith.constant 0 : i32
      %dma_wait3A_111 = arith.constant 0 : i32
      %dma_wait3A_112 = tpu.memref_slice %arg3[%dma_wait3A_110, %dma_wait3A_111] : memref<1000016x64xf32, #tpu.memory_space<hbm>> -> memref<200x64xf32, #tpu.memory_space<hbm>>
      %dma_wait3A_113 = arith.constant 0 : i32
      %dma_wait3A_114 = arith.constant 0 : i32
      %dma_wait3A_115 = tpu.memref_slice %arg3[%dma_wait3A_113, %dma_wait3A_114] : memref<1000016x64xf32, #tpu.memory_space<hbm>> -> memref<200x64xf32, #tpu.memory_space<hbm>>
      tpu.wait_dma2 semaphore(%arg10 : memref<!tpu.dma_semaphore, #tpu.memory_space<semaphore_mem>>) src(%dma_wait3A_115 : memref<200x64xf32, #tpu.memory_space<hbm>>) dst(%arg7 : memref<200x64xf32, #tpu.memory_space<vmem>>)
      %broadcast_in_dim3A_116 = arith.constant 0.000000e+00 : f32
      %broadcast_in_dim3A_117 = vector.broadcast %broadcast_in_dim3A_116 : f32 to vector<16xf32>
      %scan3A_118 = arith.constant 0 : i32
      %scan3A_119 = arith.constant 200 : i32
      %scan3A_120 = arith.addi %scan3A_118, %scan3A_119 : i32
      %scan3A_121 = arith.constant 8 : i32
      %scan3A_122:4 = scf.for %scan3A_145 = %scan3A_118 to %scan3A_120 step %scan3A_121 iter_args(%scan3A_146 = %broadcast_in_dim3A_117, %scan3A_147 = %broadcast_in_dim3A_117, %scan3A_148 = %broadcast_in_dim3A_117, %scan3A_149 = %broadcast_in_dim3A_117) -> (vector<16xf32>, vector<16xf32>, vector<16xf32>, vector<16xf32>)  : i32 {
        %get3A = arith.index_cast %scan3A_145 : i32 to index
        %get3A_150 = arith.constant 0 : index
        %get3A_151 = tpu.vector_load %arg7[%get3A, %get3A_150] {strides = array<i32>} : memref<200x64xf32, #tpu.memory_space<vmem>>, vector<1x16xf32>,
        %get3A_152 = vector.shape_cast %get3A_151 : vector<1x16xf32> to vector<16xf32>
        %add3A_153 = arith.addf %scan3A_146, %get3A_152 : vector<16xf32>
        %get3A_154 = arith.index_cast %scan3A_145 : i32 to index
        %get3A_155 = arith.constant 16 : index
        %get3A_156 = tpu.vector_load %arg7[%get3A_154, %get3A_155] {strides = array<i32>} : memref<200x64xf32, #tpu.memory_space<vmem>>, vector<1x16xf32>,
        %get3A_157 = vector.shape_cast %get3A_156 : vector<1x16xf32> to vector<16xf32>
        %add3A_158 = arith.addf %scan3A_147, %get3A_157 : vector<16xf32>
        %get3A_159 = arith.index_cast %scan3A_145 : i32 to index
        %get3A_160 = arith.constant 32 : index
        %get3A_161 = tpu.vector_load %arg7[%get3A_159, %get3A_160] {strides = array<i32>} : memref<200x64xf32, #tpu.memory_space<vmem>>, vector<1x16xf32>,
        %get3A_162 = vector.shape_cast %get3A_161 : vector<1x16xf32> to vector<16xf32>
        %add3A_163 = arith.addf %scan3A_148, %get3A_162 : vector<16xf32>
        %get3A_164 = arith.index_cast %scan3A_145 : i32 to index
        %get3A_165 = arith.constant 48 : index
        %get3A_166 = tpu.vector_load %arg7[%get3A_164, %get3A_165] {strides = array<i32>} : memref<200x64xf32, #tpu.memory_space<vmem>>, vector<1x16xf32>,
        %get3A_167 = vector.shape_cast %get3A_166 : vector<1x16xf32> to vector<16xf32>
        %add3A_168 = arith.addf %scan3A_149, %get3A_167 : vector<16xf32>
        %scan3A_169 = arith.constant 1 : i32
        %scan3A_170 = arith.addi %scan3A_145, %scan3A_169 : i32
        %get3A_171 = arith.index_cast %scan3A_170 : i32 to index
        %get3A_172 = arith.constant 0 : index
        %get3A_173 = tpu.vector_load %arg7[%get3A_171, %get3A_172] {strides = array<i32>} : memref<200x64xf32, #tpu.memory_space<vmem>>, vector<1x16xf32>,
        %get3A_174 = vector.shape_cast %get3A_173 : vector<1x16xf32> to vector<16xf32>
        %add3A_175 = arith.addf %add3A_153, %get3A_174 : vector<16xf32>
        %get3A_176 = arith.index_cast %scan3A_170 : i32 to index
        %get3A_177 = arith.constant 16 : index
        %get3A_178 = tpu.vector_load %arg7[%get3A_176, %get3A_177] {strides = array<i32>} : memref<200x64xf32, #tpu.memory_space<vmem>>, vector<1x16xf32>,
        %get3A_179 = vector.shape_cast %get3A_178 : vector<1x16xf32> to vector<16xf32>
        %add3A_180 = arith.addf %add3A_158, %get3A_179 : vector<16xf32>
        %get3A_181 = arith.index_cast %scan3A_170 : i32 to index
        %get3A_182 = arith.constant 32 : index
        %get3A_183 = tpu.vector_load %arg7[%get3A_181, %get3A_182] {strides = array<i32>} : memref<200x64xf32, #tpu.memory_space<vmem>>, vector<1x16xf32>,
        %get3A_184 = vector.shape_cast %get3A_183 : vector<1x16xf32> to vector<16xf32>
        %add3A_185 = arith.addf %add3A_163, %get3A_184 : vector<16xf32>
        %get3A_186 = arith.index_cast %scan3A_170 : i32 to index
        %get3A_187 = arith.constant 48 : index
        %get3A_188 = tpu.vector_load %arg7[%get3A_186, %get3A_187] {strides = array<i32>} : memref<200x64xf32, #tpu.memory_space<vmem>>, vector<1x16xf32>,
        %get3A_189 = vector.shape_cast %get3A_188 : vector<1x16xf32> to vector<16xf32>
        %add3A_190 = arith.addf %add3A_168, %get3A_189 : vector<16xf32>
        %scan3A_191 = arith.constant 2 : i32
        %scan3A_192 = arith.addi %scan3A_145, %scan3A_191 : i32
        %get3A_193 = arith.index_cast %scan3A_192 : i32 to index
        %get3A_194 = arith.constant 0 : index
        %get3A_195 = tpu.vector_load %arg7[%get3A_193, %get3A_194] {strides = array<i32>} : memref<200x64xf32, #tpu.memory_space<vmem>>, vector<1x16xf32>,
        %get3A_196 = vector.shape_cast %get3A_195 : vector<1x16xf32> to vector<16xf32>
        %add3A_197 = arith.addf %add3A_175, %get3A_196 : vector<16xf32>
        %get3A_198 = arith.index_cast %scan3A_192 : i32 to index
        %get3A_199 = arith.constant 16 : index
        %get3A_200 = tpu.vector_load %arg7[%get3A_198, %get3A_199] {strides = array<i32>} : memref<200x64xf32, #tpu.memory_space<vmem>>, vector<1x16xf32>,
        %get3A_201 = vector.shape_cast %get3A_200 : vector<1x16xf32> to vector<16xf32>
        %add3A_202 = arith.addf %add3A_180, %get3A_201 : vector<16xf32>
        %get3A_203 = arith.index_cast %scan3A_192 : i32 to index
        %get3A_204 = arith.constant 32 : index
        %get3A_205 = tpu.vector_load %arg7[%get3A_203, %get3A_204] {strides = array<i32>} : memref<200x64xf32, #tpu.memory_space<vmem>>, vector<1x16xf32>,
        %get3A_206 = vector.shape_cast %get3A_205 : vector<1x16xf32> to vector<16xf32>
        %add3A_207 = arith.addf %add3A_185, %get3A_206 : vector<16xf32>
        %get3A_208 = arith.index_cast %scan3A_192 : i32 to index
        %get3A_209 = arith.constant 48 : index
        %get3A_210 = tpu.vector_load %arg7[%get3A_208, %get3A_209] {strides = array<i32>} : memref<200x64xf32, #tpu.memory_space<vmem>>, vector<1x16xf32>,
        %get3A_211 = vector.shape_cast %get3A_210 : vector<1x16xf32> to vector<16xf32>
        %add3A_212 = arith.addf %add3A_190, %get3A_211 : vector<16xf32>
        %scan3A_213 = arith.constant 3 : i32
        %scan3A_214 = arith.addi %scan3A_145, %scan3A_213 : i32
        %get3A_215 = arith.index_cast %scan3A_214 : i32 to index
        %get3A_216 = arith.constant 0 : index
        %get3A_217 = tpu.vector_load %arg7[%get3A_215, %get3A_216] {strides = array<i32>} : memref<200x64xf32, #tpu.memory_space<vmem>>, vector<1x16xf32>,
        %get3A_218 = vector.shape_cast %get3A_217 : vector<1x16xf32> to vector<16xf32>
        %add3A_219 = arith.addf %add3A_197, %get3A_218 : vector<16xf32>
        %get3A_220 = arith.index_cast %scan3A_214 : i32 to index
        %get3A_221 = arith.constant 16 : index
        %get3A_222 = tpu.vector_load %arg7[%get3A_220, %get3A_221] {strides = array<i32>} : memref<200x64xf32, #tpu.memory_space<vmem>>, vector<1x16xf32>,
        %get3A_223 = vector.shape_cast %get3A_222 : vector<1x16xf32> to vector<16xf32>
        %add3A_224 = arith.addf %add3A_202, %get3A_223 : vector<16xf32>
        %get3A_225 = arith.index_cast %scan3A_214 : i32 to index
        %get3A_226 = arith.constant 32 : index
        %get3A_227 = tpu.vector_load %arg7[%get3A_225, %get3A_226] {strides = array<i32>} : memref<200x64xf32, #tpu.memory_space<vmem>>, vector<1x16xf32>,
        %get3A_228 = vector.shape_cast %get3A_227 : vector<1x16xf32> to vector<16xf32>
        %add3A_229 = arith.addf %add3A_207, %get3A_228 : vector<16xf32>
        %get3A_230 = arith.index_cast %scan3A_214 : i32 to index
        %get3A_231 = arith.constant 48 : index
        %get3A_232 = tpu.vector_load %arg7[%get3A_230, %get3A_231] {strides = array<i32>} : memref<200x64xf32, #tpu.memory_space<vmem>>, vector<1x16xf32>,
        %get3A_233 = vector.shape_cast %get3A_232 : vector<1x16xf32> to vector<16xf32>
        %add3A_234 = arith.addf %add3A_212, %get3A_233 : vector<16xf32>
        %scan3A_235 = arith.constant 4 : i32
        %scan3A_236 = arith.addi %scan3A_145, %scan3A_235 : i32
        %get3A_237 = arith.index_cast %scan3A_236 : i32 to index
        %get3A_238 = arith.constant 0 : index
        %get3A_239 = tpu.vector_load %arg7[%get3A_237, %get3A_238] {strides = array<i32>} : memref<200x64xf32, #tpu.memory_space<vmem>>, vector<1x16xf32>,
        %get3A_240 = vector.shape_cast %get3A_239 : vector<1x16xf32> to vector<16xf32>
        %add3A_241 = arith.addf %add3A_219, %get3A_240 : vector<16xf32>
        %get3A_242 = arith.index_cast %scan3A_236 : i32 to index
        %get3A_243 = arith.constant 16 : index
        %get3A_244 = tpu.vector_load %arg7[%get3A_242, %get3A_243] {strides = array<i32>} : memref<200x64xf32, #tpu.memory_space<vmem>>, vector<1x16xf32>,
        %get3A_245 = vector.shape_cast %get3A_244 : vector<1x16xf32> to vector<16xf32>
        %add3A_246 = arith.addf %add3A_224, %get3A_245 : vector<16xf32>
        %get3A_247 = arith.index_cast %scan3A_236 : i32 to index
        %get3A_248 = arith.constant 32 : index
        %get3A_249 = tpu.vector_load %arg7[%get3A_247, %get3A_248] {strides = array<i32>} : memref<200x64xf32, #tpu.memory_space<vmem>>, vector<1x16xf32>,
        %get3A_250 = vector.shape_cast %get3A_249 : vector<1x16xf32> to vector<16xf32>
        %add3A_251 = arith.addf %add3A_229, %get3A_250 : vector<16xf32>
        %get3A_252 = arith.index_cast %scan3A_236 : i32 to index
        %get3A_253 = arith.constant 48 : index
        %get3A_254 = tpu.vector_load %arg7[%get3A_252, %get3A_253] {strides = array<i32>} : memref<200x64xf32, #tpu.memory_space<vmem>>, vector<1x16xf32>,
        %get3A_255 = vector.shape_cast %get3A_254 : vector<1x16xf32> to vector<16xf32>
        %add3A_256 = arith.addf %add3A_234, %get3A_255 : vector<16xf32>
        %scan3A_257 = arith.constant 5 : i32
        %scan3A_258 = arith.addi %scan3A_145, %scan3A_257 : i32
        %get3A_259 = arith.index_cast %scan3A_258 : i32 to index
        %get3A_260 = arith.constant 0 : index
        %get3A_261 = tpu.vector_load %arg7[%get3A_259, %get3A_260] {strides = array<i32>} : memref<200x64xf32, #tpu.memory_space<vmem>>, vector<1x16xf32>,
        %get3A_262 = vector.shape_cast %get3A_261 : vector<1x16xf32> to vector<16xf32>
        %add3A_263 = arith.addf %add3A_241, %get3A_262 : vector<16xf32>
        %get3A_264 = arith.index_cast %scan3A_258 : i32 to index
        %get3A_265 = arith.constant 16 : index
        %get3A_266 = tpu.vector_load %arg7[%get3A_264, %get3A_265] {strides = array<i32>} : memref<200x64xf32, #tpu.memory_space<vmem>>, vector<1x16xf32>,
        %get3A_267 = vector.shape_cast %get3A_266 : vector<1x16xf32> to vector<16xf32>
        %add3A_268 = arith.addf %add3A_246, %get3A_267 : vector<16xf32>
        %get3A_269 = arith.index_cast %scan3A_258 : i32 to index
        %get3A_270 = arith.constant 32 : index
        %get3A_271 = tpu.vector_load %arg7[%get3A_269, %get3A_270] {strides = array<i32>} : memref<200x64xf32, #tpu.memory_space<vmem>>, vector<1x16xf32>,
        %get3A_272 = vector.shape_cast %get3A_271 : vector<1x16xf32> to vector<16xf32>
        %add3A_273 = arith.addf %add3A_251, %get3A_272 : vector<16xf32>
        %get3A_274 = arith.index_cast %scan3A_258 : i32 to index
        %get3A_275 = arith.constant 48 : index
        %get3A_276 = tpu.vector_load %arg7[%get3A_274, %get3A_275] {strides = array<i32>} : memref<200x64xf32, #tpu.memory_space<vmem>>, vector<1x16xf32>,
        %get3A_277 = vector.shape_cast %get3A_276 : vector<1x16xf32> to vector<16xf32>
        %add3A_278 = arith.addf %add3A_256, %get3A_277 : vector<16xf32>
        %scan3A_279 = arith.constant 6 : i32
        %scan3A_280 = arith.addi %scan3A_145, %scan3A_279 : i32
        %get3A_281 = arith.index_cast %scan3A_280 : i32 to index
        %get3A_282 = arith.constant 0 : index
        %get3A_283 = tpu.vector_load %arg7[%get3A_281, %get3A_282] {strides = array<i32>} : memref<200x64xf32, #tpu.memory_space<vmem>>, vector<1x16xf32>,
        %get3A_284 = vector.shape_cast %get3A_283 : vector<1x16xf32> to vector<16xf32>
        %add3A_285 = arith.addf %add3A_263, %get3A_284 : vector<16xf32>
        %get3A_286 = arith.index_cast %scan3A_280 : i32 to index
        %get3A_287 = arith.constant 16 : index
        %get3A_288 = tpu.vector_load %arg7[%get3A_286, %get3A_287] {strides = array<i32>} : memref<200x64xf32, #tpu.memory_space<vmem>>, vector<1x16xf32>,
        %get3A_289 = vector.shape_cast %get3A_288 : vector<1x16xf32> to vector<16xf32>
        %add3A_290 = arith.addf %add3A_268, %get3A_289 : vector<16xf32>
        %get3A_291 = arith.index_cast %scan3A_280 : i32 to index
        %get3A_292 = arith.constant 32 : index
        %get3A_293 = tpu.vector_load %arg7[%get3A_291, %get3A_292] {strides = array<i32>} : memref<200x64xf32, #tpu.memory_space<vmem>>, vector<1x16xf32>,
        %get3A_294 = vector.shape_cast %get3A_293 : vector<1x16xf32> to vector<16xf32>
        %add3A_295 = arith.addf %add3A_273, %get3A_294 : vector<16xf32>
        %get3A_296 = arith.index_cast %scan3A_280 : i32 to index
        %get3A_297 = arith.constant 48 : index
        %get3A_298 = tpu.vector_load %arg7[%get3A_296, %get3A_297] {strides = array<i32>} : memref<200x64xf32, #tpu.memory_space<vmem>>, vector<1x16xf32>,
        %get3A_299 = vector.shape_cast %get3A_298 : vector<1x16xf32> to vector<16xf32>
        %add3A_300 = arith.addf %add3A_278, %get3A_299 : vector<16xf32>
        %scan3A_301 = arith.constant 7 : i32
        %scan3A_302 = arith.addi %scan3A_145, %scan3A_301 : i32
        %get3A_303 = arith.index_cast %scan3A_302 : i32 to index
        %get3A_304 = arith.constant 0 : index
        %get3A_305 = tpu.vector_load %arg7[%get3A_303, %get3A_304] {strides = array<i32>} : memref<200x64xf32, #tpu.memory_space<vmem>>, vector<1x16xf32>,
        %get3A_306 = vector.shape_cast %get3A_305 : vector<1x16xf32> to vector<16xf32>
        %add3A_307 = arith.addf %add3A_285, %get3A_306 : vector<16xf32>
        %get3A_308 = arith.index_cast %scan3A_302 : i32 to index
        %get3A_309 = arith.constant 16 : index
        %get3A_310 = tpu.vector_load %arg7[%get3A_308, %get3A_309] {strides = array<i32>} : memref<200x64xf32, #tpu.memory_space<vmem>>, vector<1x16xf32>,
        %get3A_311 = vector.shape_cast %get3A_310 : vector<1x16xf32> to vector<16xf32>
        %add3A_312 = arith.addf %add3A_290, %get3A_311 : vector<16xf32>
        %get3A_313 = arith.index_cast %scan3A_302 : i32 to index
        %get3A_314 = arith.constant 32 : index
        %get3A_315 = tpu.vector_load %arg7[%get3A_313, %get3A_314] {strides = array<i32>} : memref<200x64xf32, #tpu.memory_space<vmem>>, vector<1x16xf32>,
        %get3A_316 = vector.shape_cast %get3A_315 : vector<1x16xf32> to vector<16xf32>
        %add3A_317 = arith.addf %add3A_295, %get3A_316 : vector<16xf32>
        %get3A_318 = arith.index_cast %scan3A_302 : i32 to index
        %get3A_319 = arith.constant 48 : index
        %get3A_320 = tpu.vector_load %arg7[%get3A_318, %get3A_319] {strides = array<i32>} : memref<200x64xf32, #tpu.memory_space<vmem>>, vector<1x16xf32>,
        %get3A_321 = vector.shape_cast %get3A_320 : vector<1x16xf32> to vector<16xf32>
        %add3A_322 = arith.addf %add3A_300, %get3A_321 : vector<16xf32>
        scf.yield %add3A_307, %add3A_312, %add3A_317, %add3A_322 : vector<16xf32>, vector<16xf32>, vector<16xf32>, vector<16xf32>
      }
      %scan3A_123 = arith.constant 200 : i32
      %swap3A_124 = arith.index_cast %add3A_38 : i32 to index
      %swap3A_125 = arith.constant 0 : index
      %swap3A_126 = tpu.vector_load %arg8[%swap3A_124, %swap3A_125] {strides = array<i32>} : memref<128x64xf32, #tpu.memory_space<vmem>>, vector<1x16xf32>,
      %swap3A_127 = vector.shape_cast %swap3A_126 : vector<1x16xf32> to vector<16xf32>
      %swap3A_128 = vector.shape_cast %scan3A_122#0 : vector<16xf32> to vector<1x16xf32>
      tpu.vector_store %arg8[%swap3A_124, %swap3A_125], %swap3A_128 {strides = array<i32>} : memref<128x64xf32, #tpu.memory_space<vmem>>, vector<1x16xf32>,
      %swap3A_129 = arith.index_cast %add3A_38 : i32 to index
      %swap3A_130 = arith.constant 16 : index
      %swap3A_131 = tpu.vector_load %arg8[%swap3A_129, %swap3A_130] {strides = array<i32>} : memref<128x64xf32, #tpu.memory_space<vmem>>, vector<1x16xf32>,
      %swap3A_132 = vector.shape_cast %swap3A_131 : vector<1x16xf32> to vector<16xf32>
      %swap3A_133 = vector.shape_cast %scan3A_122#1 : vector<16xf32> to vector<1x16xf32>
      tpu.vector_store %arg8[%swap3A_129, %swap3A_130], %swap3A_133 {strides = array<i32>} : memref<128x64xf32, #tpu.memory_space<vmem>>, vector<1x16xf32>,
      %swap3A_134 = arith.index_cast %add3A_38 : i32 to index
      %swap3A_135 = arith.constant 32 : index
      %swap3A_136 = tpu.vector_load %arg8[%swap3A_134, %swap3A_135] {strides = array<i32>} : memref<128x64xf32, #tpu.memory_space<vmem>>, vector<1x16xf32>,
      %swap3A_137 = vector.shape_cast %swap3A_136 : vector<1x16xf32> to vector<16xf32>
      %swap3A_138 = vector.shape_cast %scan3A_122#2 : vector<16xf32> to vector<1x16xf32>
      tpu.vector_store %arg8[%swap3A_134, %swap3A_135], %swap3A_138 {strides = array<i32>} : memref<128x64xf32, #tpu.memory_space<vmem>>, vector<1x16xf32>,
      %swap3A_139 = arith.index_cast %add3A_38 : i32 to index
      %swap3A_140 = arith.constant 48 : index
      %swap3A_141 = tpu.vector_load %arg8[%swap3A_139, %swap3A_140] {strides = array<i32>} : memref<128x64xf32, #tpu.memory_space<vmem>>, vector<1x16xf32>,
      %swap3A_142 = vector.shape_cast %swap3A_141 : vector<1x16xf32> to vector<16xf32>
      %swap3A_143 = vector.shape_cast %scan3A_122#3 : vector<16xf32> to vector<1x16xf32>
      tpu.vector_store %arg8[%swap3A_139, %swap3A_140], %swap3A_143 {strides = array<i32>} : memref<128x64xf32, #tpu.memory_space<vmem>>, vector<1x16xf32>,
      %scan3A_144 = arith.constant 0 : i32
      scf.yield %scan3A_144 : i32
    }
    %scan3A_27 = arith.constant 64 : i32
    %dma_wait3A = arith.constant 0 : i32
    %dma_wait3A_28 = arith.constant 0 : i32
    %dma_wait3A_29 = tpu.memref_slice %arg3[%dma_wait3A, %dma_wait3A_28] : memref<1000016x64xf32, #tpu.memory_space<hbm>> -> memref<200x64xf32, #tpu.memory_space<hbm>>
    %dma_wait3A_30 = arith.constant 0 : i32
    %dma_wait3A_31 = arith.constant 0 : i32
    %dma_wait3A_32 = tpu.memref_slice %arg3[%dma_wait3A_30, %dma_wait3A_31] : memref<1000016x64xf32, #tpu.memory_space<hbm>> -> memref<200x64xf32, #tpu.memory_space<hbm>>
    tpu.wait_dma2 semaphore(%arg9 : memref<!tpu.dma_semaphore, #tpu.memory_space<semaphore_mem>>) src(%dma_wait3A_32 : memref<200x64xf32, #tpu.memory_space<hbm>>) dst(%arg6 : memref<200x64xf32, #tpu.memory_space<vmem>>)
    "tpu.region"() ({
      %run_scoped3A = tpu.sem_alloc : memref<!tpu.dma_semaphore, #tpu.memory_space<semaphore_mem>>
      %dma_start3A_33 = arith.constant 0 : i32
      %dma_start3A_34 = tpu.memref_slice %arg4[%mul3A_2, %dma_start3A_33] : memref<4096x64xf32, #tpu.memory_space<hbm>> -> memref<128x64xf32, #tpu.memory_space<hbm>>
      %dma_start3A_35 = arith.constant 0 : i32
      %dma_start3A_36 = tpu.memref_slice %arg4[%mul3A_2, %dma_start3A_35] : memref<4096x64xf32, #tpu.memory_space<hbm>> -> memref<128x64xf32, #tpu.memory_space<hbm>>
      tpu.enqueue_dma source(%arg8 : memref<128x64xf32, #tpu.memory_space<vmem>>) target(%dma_start3A_36 : memref<128x64xf32, #tpu.memory_space<hbm>>) target_semaphore(%run_scoped3A : memref<!tpu.dma_semaphore, #tpu.memory_space<semaphore_mem>>)
      %dma_wait3A_37 = arith.constant 0 : i32
      %dma_wait3A_38 = tpu.memref_slice %arg4[%mul3A_2, %dma_wait3A_37] : memref<4096x64xf32, #tpu.memory_space<hbm>> -> memref<128x64xf32, #tpu.memory_space<hbm>>
      %dma_wait3A_39 = arith.constant 0 : i32
      %dma_wait3A_40 = tpu.memref_slice %arg4[%mul3A_2, %dma_wait3A_39] : memref<4096x64xf32, #tpu.memory_space<hbm>> -> memref<128x64xf32, #tpu.memory_space<hbm>>
      tpu.wait_dma2 semaphore(%run_scoped3A : memref<!tpu.dma_semaphore, #tpu.memory_space<semaphore_mem>>) src(%arg8 : memref<128x64xf32, #tpu.memory_space<vmem>>) dst(%dma_wait3A_40 : memref<128x64xf32, #tpu.memory_space<hbm>>)
      tpu.yield
    }) : () -> ()
    return
  }
}

module attributes {stable_mosaic.version = 14 : i64} {
  func.func @_mlp_body(%arg0: i32, %arg1: memref<512x64xf32, #tpu.memory_space<vmem>>, %arg2: memref<128x64xf32, #tpu.memory_space<vmem>>, %arg3: memref<1x128xf32, #tpu.memory_space<vmem>>, %arg4: memref<64x128xf32, #tpu.memory_space<vmem>>, %arg5: memref<1x64xf32, #tpu.memory_space<vmem>>, %arg6: memref<512x64xf32, #tpu.memory_space<vmem>>) attributes {dimension_semantics = [#tpu.dimension_semantics<arbitrary>], iteration_bounds = array<i64: 8>, scalar_prefetch = 0 : i64, scratch_operands = 0 : i64, tpu.core_type = #tpu.core_type<tc>, window_params = [{transform_indices = @transform_0, window_bounds = array<i64: 512, 64>}, {pipeline_mode = #tpu.pipeline_mode<synchronous>, transform_indices = @transform_1, window_bounds = array<i64: 128, 64>}, {pipeline_mode = #tpu.pipeline_mode<synchronous>, transform_indices = @transform_2, window_bounds = array<i64: 1, 128>}, {pipeline_mode = #tpu.pipeline_mode<synchronous>, transform_indices = @transform_3, window_bounds = array<i64: 64, 128>}, {pipeline_mode = #tpu.pipeline_mode<synchronous>, transform_indices = @transform_4, window_bounds = array<i64: 1, 64>}, {transform_indices = @transform_5, window_bounds = array<i64: 512, 64>}]} {
    %get3A = arith.constant 0 : index
    %get3A_0 = arith.constant 0 : index
    %get3A_1 = vector.load %arg1[%get3A, %get3A_0] : memref<512x64xf32, #tpu.memory_space<vmem>>, vector<512x64xf32>
    %mul3A = arith.mulf %get3A_1, %get3A_1 : vector<512x64xf32>
    %reduce_sum3A = arith.constant dense<0.000000e+00> : vector<512xf32>
    %reduce_sum3A_2 = vector.multi_reduction <add>, %mul3A, %reduce_sum3A [1] : vector<512x64xf32> to vector<512xf32>
    %broadcast_in_dim3A = vector.shape_cast %reduce_sum3A_2 : vector<512xf32> to vector<512x1xf32>
    %sqrt3A = math.sqrt %broadcast_in_dim3A : vector<512x1xf32>
    %max3A = arith.constant 9.99999996E-13 : f32
    %max3A_3 = vector.broadcast %max3A : f32 to vector<512x1xf32>
    %max3A_4 = arith.maximumf %sqrt3A, %max3A_3 : vector<512x1xf32>
    %div3A = vector.broadcast %max3A_4 : vector<512x1xf32> to vector<512x64xf32>
    %div3A_5 = arith.divf %get3A_1, %div3A : vector<512x64xf32>
    %get3A_6 = arith.constant 0 : index
    %get3A_7 = arith.constant 0 : index
    %get3A_8 = vector.load %arg2[%get3A_6, %get3A_7] : memref<128x64xf32, #tpu.memory_space<vmem>>, vector<128x64xf32>
    %dot_general3A = arith.constant dense<0.000000e+00> : vector<512x128xf32>
    %dot_general3A_9 = tpu.matmul %div3A_5, %get3A_8, %dot_general3A {dimension_numbers = #tpu.dot_dimension_numbers<[1], [1], [0], [0], [0, 0, 1, 0], [], []>, transpose_lhs_hint = false} : vector<512x64xf32>, vector<128x64xf32>, vector<512x128xf32> -> vector<512x128xf32>
    %get3A_10 = arith.constant 0 : index
    %get3A_11 = arith.constant 0 : index
    %get3A_12 = vector.load %arg3[%get3A_10, %get3A_11] : memref<1x128xf32, #tpu.memory_space<vmem>>, vector<1x128xf32>
    %add3A = vector.broadcast %get3A_12 : vector<1x128xf32> to vector<512x128xf32>
    %add3A_13 = arith.addf %dot_general3A_9, %add3A : vector<512x128xf32>
    %max3A_14 = arith.constant 0.000000e+00 : f32
    %max3A_15 = vector.broadcast %max3A_14 : f32 to vector<512x128xf32>
    %max3A_16 = arith.maximumf %add3A_13, %max3A_15 : vector<512x128xf32>
    %get3A_17 = arith.constant 0 : index
    %get3A_18 = arith.constant 0 : index
    %get3A_19 = vector.load %arg4[%get3A_17, %get3A_18] : memref<64x128xf32, #tpu.memory_space<vmem>>, vector<64x128xf32>
    %dot_general3A_20 = arith.constant dense<0.000000e+00> : vector<512x64xf32>
    %dot_general3A_21 = tpu.matmul %max3A_16, %get3A_19, %dot_general3A_20 {dimension_numbers = #tpu.dot_dimension_numbers<[1], [1], [0], [0], [0, 0, 1, 0], [], []>, transpose_lhs_hint = false} : vector<512x128xf32>, vector<64x128xf32>, vector<512x64xf32> -> vector<512x64xf32>
    %get3A_22 = arith.constant 0 : index
    %get3A_23 = arith.constant 0 : index
    %get3A_24 = vector.load %arg5[%get3A_22, %get3A_23] : memref<1x64xf32, #tpu.memory_space<vmem>>, vector<1x64xf32>
    %add3A_25 = vector.broadcast %get3A_24 : vector<1x64xf32> to vector<512x64xf32>
    %add3A_26 = arith.addf %dot_general3A_21, %add3A_25 : vector<512x64xf32>
    %reduce_max3A = arith.constant dense<0xFF800000> : vector<512xf32>
    %reduce_max3A_27 = vector.multi_reduction <maximumf>, %add3A_26, %reduce_max3A [1] : vector<512x64xf32> to vector<512xf32>
    %broadcast_in_dim3A_28 = vector.shape_cast %reduce_max3A_27 : vector<512xf32> to vector<512x1xf32>
    %sub3A = vector.broadcast %broadcast_in_dim3A_28 : vector<512x1xf32> to vector<512x64xf32>
    %sub3A_29 = arith.subf %add3A_26, %sub3A : vector<512x64xf32>
    %exp3A = math.exp %sub3A_29 : vector<512x64xf32>
    %reduce_sum3A_30 = arith.constant dense<0.000000e+00> : vector<512xf32>
    %reduce_sum3A_31 = vector.multi_reduction <add>, %exp3A, %reduce_sum3A_30 [1] : vector<512x64xf32> to vector<512xf32>
    %broadcast_in_dim3A_32 = vector.shape_cast %reduce_sum3A_31 : vector<512xf32> to vector<512x1xf32>
    %div3A_33 = vector.broadcast %broadcast_in_dim3A_32 : vector<512x1xf32> to vector<512x64xf32>
    %div3A_34 = arith.divf %exp3A, %div3A_33 : vector<512x64xf32>
    %swap3A = arith.constant 0 : index
    %swap3A_35 = arith.constant 0 : index
    %swap3A_36 = vector.load %arg6[%swap3A, %swap3A_35] : memref<512x64xf32, #tpu.memory_space<vmem>>, vector<512x64xf32>
    tpu.vector_store %arg6[%swap3A, %swap3A_35], %div3A_34 {strides = array<i32>} : memref<512x64xf32, #tpu.memory_space<vmem>>, vector<512x64xf32>,
    return
  }
  func.func @transform_0(%arg0: i32) -> (i32, i32) {
    %c0_i32 = arith.constant 0 : i32
    %c0_i32_0 = arith.constant 0 : i32
    return %arg0, %c0_i32 : i32, i32
  }
  func.func @transform_1(%arg0: i32) -> (i32, i32) {
    %c0_i32 = arith.constant 0 : i32
    %c0_i32_0 = arith.constant 0 : i32
    %c0_i32_1 = arith.constant 0 : i32
    return %c0_i32, %c0_i32_0 : i32, i32
  }
  func.func @transform_2(%arg0: i32) -> (i32, i32) {
    %c0_i32 = arith.constant 0 : i32
    %c0_i32_0 = arith.constant 0 : i32
    %c0_i32_1 = arith.constant 0 : i32
    return %c0_i32, %c0_i32_0 : i32, i32
  }
  func.func @transform_3(%arg0: i32) -> (i32, i32) {
    %c0_i32 = arith.constant 0 : i32
    %c0_i32_0 = arith.constant 0 : i32
    %c0_i32_1 = arith.constant 0 : i32
    return %c0_i32, %c0_i32_0 : i32, i32
  }
  func.func @transform_4(%arg0: i32) -> (i32, i32) {
    %c0_i32 = arith.constant 0 : i32
    %c0_i32_0 = arith.constant 0 : i32
    %c0_i32_1 = arith.constant 0 : i32
    return %c0_i32, %c0_i32_0 : i32, i32
  }
  func.func @transform_5(%arg0: i32) -> (i32, i32) {
    %c0_i32 = arith.constant 0 : i32
    %c0_i32_0 = arith.constant 0 : i32
    return %arg0, %c0_i32 : i32, i32
  }
}

</mosaic_0001>

<sc_bundles>
// kernel: kernel.5.cloned.1.call-start
scs
__scs_entry_jumppad:
0x0: {  	(pc) =	sbr.rel $0x88, $3  }
0x1: {  	(tag) =	ssettag $0x0;
	lr =	simm.s32 $0x1  }
0x2: {  	[smem:$0x3F9B] =	sst lr;
	_ =	strace $0xD0000000  }
0x3: {  	_ = 	snop  }
0x4: {  	_ = 	snop  }
0x5: {  	_ = 	snop  }
0x6: {  	_ = 	snop  }
0x7: {  	_ = 	snop  }
__scs_overlays_trampoline_lowered:
0x8: {  	[smem:$0x3FAA] =	sst s0  }
0x9: {  	[smem:$0x3FAB] =	sst s1  }
0xa: {  	[smem:$0x3FAC] =	sst s2  }
0xb: {  	[smem:$0x3FAD] =	sst s3  }
0xc: {  	[smem:$0x3FAE] =	sst s4  }
0xd: {  	[smem:$0x3FAF] =	sst s5  }
0xe: {  	[smem:$0x3FB0] =	sst s6  }
0xf: {  	[smem:$0x3FB1] =	sst s7  }
0x10: {  	[smem:$0x3FB2] =	sst s8  }
0x11: {  	[smem:$0x3FB3] =	sst s9;
	s0 =	simm.s32 @!p0 $0x0  }
0x12: {  	s1 =	sld [smem:$0x3F99];
	s0 =	simm.s32 @p0 $0x1  }
0x13: {  	[smem:$0x3FB4] =	sst s0;
	s0 =	simm.s32 @!p1 $0x0  }
0x14: {  	s2 =	sld [smem:$0x3F98];
	s0 =	simm.s32 @p1 $0x1  }
0x15: {  	[smem:$0x3FB5] =	sst s0;
	s0 =	simm.s32 @!p2 $0x0  }
0x16: {  	s3 =	sld [smem:$0x3FDB];
	s0 =	simm.s32 @p2 $0x1  }
0x17: {  	s4 =	simm.s32 $0x1BF5;
	[smem:$0x3FB7] =	sst s0  }
0x18: {  	s0 =	sld [smem:$0x3F9A];
	_ =	swait.ge [sflag:s4], $0x0  }
0x19: {  	s7 =	sld [smem:$0x3F9B]  }
0x1a: {  	s8 =	sadd.s32 $0xFFFFE003, lr  }
0x1b: {  	s9 =	sadd.s32 $0xFFFFFEF7, lr;
	s5 =	simm.s32 $0xFFFFFFFF;
	p2 =	slt.u32 s8, $0xFFFFF086  }
0x1c: {  	p1 =	slt.u32 s9, $0xF7A;
	s5 =	simm.s32 @!p2 $0x0  }
0x1d: {  	s5 =	simm.s32 @p1 $0x1;
	p0 =	seq.s32 s7, s2  }
0x1e: {  	s7 =	smul.u32 @!p0 $0xF7A, s2;
	p2 =	seq.s32 @!p0 s5, $0x0  }
0x1f: {  	s9 =	smul.u32 $0xF7A, s1;
	s8 =	simm.s32 @!p0 $0x1BF5;
	p2 =	por !p2, p0  }
0x20: {  	[sflag:s8] =	ssyncset.s32 @!p0 $0xFFFFF086;
	s6 =	sadd.s32 @!p0 s3, s7;
	s7 =	simm.s32 @!p0 $0x108  }
0x21: {  	s3 =	sadd.s32 s3, s9;
	s6 =	sadd.s32 @!p0 $0x88, s6;
	s7 =	simm.s32 @p2 $0x1082  }
0x22: {  	[simem:s7], [sflag:s8] =	dma.local @!p0 [hbm:s6], $0xF7A  }
0x23: {  	s9 =	sor.u32 $0xD0000000, s2;
	s6 =	simm.s32 $0x108;
	_ =	swait.ge @!p0 [sflag:s8], $0x0  }
0x24: {  	s3 =	sadd.s32 $0x88, s3;
	s6 =	simm.s32 @!p1 $0x1082;
	[sflag:s4] =	ssyncset.s32 $0xFFFFF086  }
0x25: {  	[simem:s6], [sflag:s4] =	dma.local [hbm:s3], $0xF7A  }
0x26: {  	[smem:$0x3F9B] =	sst s1;
	(tag) =	ssettag s2;
	_ =	strace s9  }
0x27: {  	s1 =	sld [smem:$0x3FAB]  }
0x28: {  	s2 =	sld [smem:$0x3FAC]  }
0x29: {  	s4 =	sld [smem:$0x3FAE]  }
0x2a: {  	p0 =	seq.s32 s5, $0x0;
	s5 =	sld [smem:$0x3FAF]  }
0x2b: {  	s6 =	sld [smem:$0x3FB0]  }
0x2c: {  	s7 =	sld [smem:$0x3FB1]  }
0x2d: {  	s3 =	simm.s32 $0x108;
	s8 =	sld [smem:$0x3FB2]  }
0x2e: {  	s3 =	simm.s32 @!p0 $0x1082;
	s9 =	sld [smem:$0x3FB3]  }
0x2f: {  	lr =	sadd.s32 s0, s3;
	s0 =	sld [smem:$0x3FAA]  }
0x30: {  	s3 =	sld [smem:$0x3FAD]  }
0x31: {  	[smem:$0x3FB6] =	sst s10  }
0x32: {  	s10 =	sld [smem:$0x3FB4];
	_ =	sdelay $0x3  }
0x33: {  	p0 =	seq.s32 s10, $0x1;
	s10 =	sld [smem:$0x3FB6];
	_ =	sdelay $0x3  }
0x34: {  	[smem:$0x3FB6] =	sst s10  }
0x35: {  	s10 =	sld [smem:$0x3FB5];
	_ =	sdelay $0x3  }
0x36: {  	p1 =	seq.s32 s10, $0x1;
	s10 =	sld [smem:$0x3FB6];
	_ =	sdelay $0x3  }
0x37: {  	[smem:$0x3FB6] =	sst s10  }
0x38: {  	s10 =	sld [smem:$0x3FB7]  }
0x39: {  	_ = 	snop;
	(pc) =	sbr.ind lr, $3  }
0x3a: {  	_ = 	snop  }
0x3b: {  	_ = 	snop  }
0x3c: {  	p2 =	seq.s32 s10, $0x1;
	s10 =	sld [smem:$0x3FB6]  }
0x3d: {  	_ =	shalt  }
0x3e: {  	_ =	shalt  }
0x3f: {  	_ =	shalt  }
0x40: {  	_ =	shalt  }
0x41: {  	_ =	shalt  }
0x42: {  	_ =	shalt  }
0x43: {  	_ =	shalt  }
0x44: {  	_ =	shalt  }
0x45: {  	_ =	shalt  }
0x46: {  	_ =	shalt  }
0x47: {  	_ =	shalt  }
0x48: {  	_ =	shalt  }
0x49: {  	_ =	shalt  }
0x4a: {  	_ =	shalt  }
0x4b: {  	_ =	shalt  }
0x4c: {  	_ =	shalt  }
0x4d: {  	_ =	shalt  }
0x4e: {  	_ =	shalt  }
0x4f: {  	_ =	shalt  }
0x50: {  	_ =	shalt  }
0x51: {  	_ =	shalt  }
0x52: {  	_ =	shalt  }
0x53: {  	_ =	shalt  }
0x54: {  	_ =	shalt  }
0x55: {  	_ =	shalt  }
0x56: {  	_ =	shalt  }
0x57: {  	_ =	shalt  }
0x58: {  	_ =	shalt  }
0x59: {  	_ =	shalt  }
0x5a: {  	_ =	shalt  }
0x5b: {  	_ =	shalt  }
0x5c: {  	_ =	shalt  }
0x5d: {  	_ =	shalt  }
0x5e: {  	_ =	shalt  }
0x5f: {  	_ =	shalt  }
0x60: {  	_ =	shalt  }
0x61: {  	_ =	shalt  }
0x62: {  	_ =	shalt  }
0x63: {  	_ =	shalt  }
0x64: {  	_ =	shalt  }
0x65: {  	_ =	shalt  }
0x66: {  	_ =	shalt  }
0x67: {  	_ =	shalt  }
0x68: {  	_ =	shalt  }
0x69: {  	_ =	shalt  }
0x6a: {  	_ =	shalt  }
0x6b: {  	_ =	shalt  }
0x6c: {  	_ =	shalt  }
0x6d: {  	_ =	shalt  }
0x6e: {  	_ =	shalt  }
0x6f: {  	_ =	shalt  }
0x70: {  	_ =	shalt  }
0x71: {  	_ =	shalt  }
0x72: {  	_ =	shalt  }
0x73: {  	_ =	shalt  }
0x74: {  	_ =	shalt  }
0x75: {  	_ =	shalt  }
0x76: {  	_ =	shalt  }
0x77: {  	_ =	shalt  }
0x78: {  	_ =	shalt  }
0x79: {  	_ =	shalt  }
0x7a: {  	_ =	shalt  }
0x7b: {  	_ =	shalt  }
0x7c: {  	_ =	shalt  }
0x7d: {  	_ =	shalt  }
0x7e: {  	_ =	shalt  }
0x7f: {  	_ =	shalt  }
0x80: {  	_ =	shalt  }
0x81: {  	_ =	shalt  }
0x82: {  	_ =	shalt  }
0x83: {  	_ =	shalt  }
0x84: {  	_ =	shalt  }
0x85: {  	_ =	shalt  }
0x86: {  	_ =	shalt  }
0x87: {  	_ =	shalt  }
.Lfunc_end0:
.L_simem_size_0:
called_computation_lowered:
.L_overlay_start_0:
0x88: {  	s2 =	sld [smem:$0x3FD9]  }
0x89: {  	s3 =	sld [smem:$0x3FFE];
	_ =	sdelay $0x1  }
0x8a: {  	s1 =	srdreg.scid  }
0x8b: {  	s0 =	sand.u32 $0x1, s1  }
0x8c: {  	s17 =	sshll.u32 s0, $0xA;
	s2 =	sadd.s32 s3, s2  }
0x8d: {  	s2 =	sadd.s32 s2, s17  }
0x8e: {  	[smem:$0x3FC2] =	sst s2  }
0x8f: {  	_ = 	snop  }
0x90: {  	s2 =	sld [smem:$0x3FC8]  }
0x91: {  	s18 =	sld [smem:$0x3FD0];
	(tm) =	ssettm $0x1  }
0x92: {  	s4 =	sld [smem:$0x3FFB];
	_ =	sdelay $0x3  }
0x93: {  	_ =	strace s4  }
0x94: {  	s4 =	sld [smem:$0x3FFC];
	_ =	sdelay $0x3  }
0x95: {  	_ =	strace s4  }
0x96: {  	s4 =	sld [smem:$0x3FFD];
	_ =	sdelay $0x3  }
0x97: {  	_ =	strace s4  }
0x98: {  	_ =	strace $0x8FFFFFFF  }
0x99: {  	s19 =	sld [smem:$0x3FDB];
	_ =	sdelay $0x1  }
0x9a: {  	s5 =	simm.s32 $_scs_section_size  }
0x9b: {  	s6 =	simm.s32 $_size__tile_overlayer_lowered;
	s7 =	simm.s32 $_tile_overlayer_lowered  }
0x9c: {  	s22 =	simm.s32 $0x1BFF;
	s21 =	sshll.u32 s7, $0x1;
	s4 =	sadd.s32 s5, s19  }
0x9d: {  	s8 =	simm.s32 $0x0;
	s20 =	sshll.u32 s6, $0x1;
	s6 =	sadd.s32 s21, s4  }
0x9e: {  	[timem:s8], [sflag:s22] =	dma.local [hbm:s6], s20  }
0x9f: {  	_ =	swait.ge [sflag:s22], s20  }
0xa0: {  	s5 =	ssub.s32 $0x0, s20;
	[sflag:s22] =	ssyncset.done $0x0  }
0xa1: {  	[sflag:s22] =	ssyncadd.s32 s5;
	_ =	sdelay $0x1  }
0xa2: {  	s23 =	simm.s32 $0x1B8B  }
0xa3: {  	_ =	swait.ge [sflag:s23], $0x1  }
0xa4: {  	[sflag:s23] =	ssyncset.done $0x0  }
0xa5: {  	s25 =	simm.s32 $0x1B8E;
	s24 =	sld [smem:$0x3FFE];
	[sflag:s23] =	ssyncadd.s32 $0xFFFFFFFF  }
0xa6: {  	s26 =	simm.s32 $execute0_lowered;
	[smem:$0x3FD2] =	sst s25  }
0xa7: {  	s6 =	sshll.u32 s26, $0x1;
	_ =	strace $0x80000046;
	[dreg:$0x1] =	wrdreg $0xFFFFFFFF  }
0xa8: {  	s28 =	simm.s32 $_size_execute0_lowered;
	s4 =	sadd.s32 s4, s6;
	[dreg:$0x0] =	wrdreg $0x0  }
0xa9: {  	s6 =	sshll.u32 s28, $0x1;
	[dreg:$0x2] =	wrdreg s4  }
0xaa: {  	[dreg:$0x3] =	wrdreg s6  }
0xab: {  	[dreg:$0x4] =	wrdreg $0xC0  }
0xac: {  	_ =	task [dreg:s8], $0x5FFFF  }
0xad: {  	[dreg:$0x1] =	wrdreg $0xFFFFFFFF  }
0xae: {  	[dreg:$0x0] =	wrdreg $0x60  }
0xaf: {  	[dreg:$0x2] =	wrdreg s2  }
0xb0: {  	[dreg:$0x3] =	wrdreg s18  }
0xb1: {  	[dreg:$0x4] =	wrdreg s24  }
0xb2: {  	[dreg:$0x5] =	wrdreg $0x9  }
0xb3: {  	_ =	task.clear_ibuf [dreg:s8], $0x6FFFF;
	_ =	strace $0x90000046  }
0xb4: {  	s29 =	simm.s32 $0x9;
	_ =	strace $0x80000048  }
0xb5: {  	_ =	swait.ge [sflag:s29], $0x1  }
0xb6: {  	[sflag:s29] =	ssyncadd.s32 $0xFFFFFFFF  }
0xb7: {  	_ =	strace $0x90000048  }
0xb8: {  	_ =	sfence  }
0xb9: {  	s30 =	sld [smem:$0x0];
	_ =	sdelay $0x2  }
0xba: {  	s31 =	sshll.u32 s1, $0xD;
	s1 =	sshrl.u32 s1, $0x2  }
0xbb: {  	s3 =	sand.u32 $0x4000, s31;
	s1 =	sadd.s32 s1, s30  }
0xbc: {  	s0 =	sor.u32 s3, s0;
	s1 =	sshll.u32 s1, $0x11  }
0xbd: {  	s0 =	sor.u32 s1, s0  }
0xbe: {  	s0 =	sadd.s32 $0x8F2B, s0  }
0xbf: {  	[sflag:s0] =	ssyncadd.remote.s32 $0x1  }
0xc0: {  	_ =	sfence.sel $0xFFFF  }
0xc1: {  	[dreg:$0x0] =	wrdreg $0xFFFFFFFF;
	(pc) =	sbr.abs _section_cstart, $3  }
0xc2: {  	[dreg:$0x1] =	wrdreg $0xFFFFFFFF  }
0xc3: {  	_ =	task.clear_ibuf [dreg:s8], $0x2FFFF;
	_ =	strace $0x9FFFFFFF  }
0xc4: {  	(tm) =	ssettm $0x7FFFFFFF  }
0xc5: {  	_ =	shalt  }
tec
execute0_lowered:
.L_overlay_start_1:
0x0: {  	(tag) =	ssettag $0x1  }
0x1: {  	s1 =	rddreg [dreg:$0x0]  }
0x2: {  	s0 =	rddreg [dreg:$0x2];
	s3 =	simm.s32 $0x0;
	s4 =	srdreg.scid  }
0x3: {  	s2 =	stileid.u32;
	s18 =	simm.s32 $0x800;
	s19 =	simm.s32 $0x7A1400  }
0x4: {  	s22 =	simm.s32 $0xC000;
	s23 =	simm.s32 $0x1;
	s24 =	simm.s32 $0x10000  }
0x5: {  	s26 =	simm.s32 $0x2;
	s28 =	simm.s32 $0x0;
	[smem:$0x7FF] =	sst s3  }
0x6: {  	s12 =	sand.u32 $0x1, s4;
	s13 =	sadd.s32 $0x1200, s0;
	s7 =	sshll.u32 s2, $0x1  }
0x7: {  	p0 =	seq.s32 s2, $0x0;
	s10 =	sadd.s32 $0x7A2200, s0;
	s31 =	sshll.u32 s2, $0xC  }
0x8: {  	_ =	strace $0x80000047;
	s5 =	ssub.s32 $0x2, s12;
	s25 =	sor.u32 s12, s7  }
0x9: {  	s7 =	simm.s32 $0xF40;
	s0 =	sadd.s32 s31, s13;
	s15 =	sshll.u32 s12, $0xB  }
0xa: {  	s6 =	sshrl.u32 s5, $0x1;
	s30 =	sshll.u32 s25, $0x8;
	s7 =	simm.s32 @!p0 $0xF20  }
0xb: {  	s14 =	sshll.u32 s25, $0xB;
	s0 =	sadd.s32 s15, s0;
	s17 =	sor.u32 $0xA0, s25  }
0xc: {  	s11 =	ssub.s32 s5, s6;
	s5 =	simm.s32 $0x7B;
	s6 =	sadd.s32 s1, s30  }
0xd: {  	s7 =	sor.u32 s7, s25;
	s13 =	sadd.s32 s13, s14;
	s16 =	sadd.s32 $0x20000, s0  }
0xe: {  	s5 =	simm.s32 @!p0 $0x7A;
	s8 =	sadd.s32 $0x2000, s6;
	s9 =	sadd.s32 $0x4000, s6  }
0xf: {  	s11 =	smax.u32 s11, $0x1;
	s12 =	sadd.s32 $0x6000, s6;
	s14 =	sadd.s32 $0x8000, s6  }
0x10: {  	s15 =	sadd.s32 $0x10000, s13;
	p0 =	sne.s32 s25, $0x2;
	s25 =	simm.s32 $0x14000  }
.LBB2_1:
0x11: {  	[tilespmem:s3], [sflag:$0x1] =	stream.strided.gather [hbm4b:s6+s18], $0x4000, s19, s18, $0x38;
	[tilespmem:$0x18000] =	vst v63  }
0x12: {  	s0 =	simm.s32 $0x4000  }
0x13: {  	[tilespmem:s0], [sflag:$0x1] =	stream.strided.gather [hbm4b:s8+s18], $0x4000, s19, s18, $0x38;
	[tilespmem:$0x18000] =	vst v63  }
0x14: {  	s21 =	simm.s32 $0x8000  }
0x15: {  	[tilespmem:s21], [sflag:$0x1] =	stream.strided.gather [hbm4b:s9+s18], $0x4000, s19, s18, $0x38;
	[tilespmem:$0x18000] =	vst v63  }
0x16: {  	_ = 	snop  }
0x17: {  	[tilespmem:s22], [sflag:$0x1] =	stream.strided.gather [hbm4b:s12+s18], $0x4000, s19, s18, $0x38;
	[tilespmem:$0x18000] =	vst v63  }
0x18: {  	_ =	swait.ge [sflag:s23], $0x4000  }
0x19: {  	[sflag:s23] =	ssyncset.done $0x0  }
0x1a: {  	[sflag:s23] =	ssyncadd.s32 $0xFFFFC000  }
0x1b: {  	[hbm4b:s13+s3] =	stream.linear.scatter [tilespmem:s24], [sflag:$0x2], $0x4000, $0x38;
	[tilespmem:$0x18000] =	vst v63  }
0x1c: {  	_ = 	snop  }
0x1d: {  	[tilespmem:s3], [sflag:$0x1] =	stream.strided.gather [hbm4b:s14+s18], $0x4000, s19, s18, $0x38;
	[tilespmem:$0x18000] =	vst v63  }
0x1e: {  	_ =	swait.ge [sflag:s23], $0x4000  }
0x1f: {  	s29 =	smov.u32 s17;
	[sflag:s23] =	ssyncset.done $0x0  }
0x20: {  	s30 =	smov.u32 s16;
	s31 =	simm.s32 $0x2;
	[sflag:s23] =	ssyncadd.s32 $0xFFFFC000  }
0x21: {  	[hbm4b:s15+s3] =	stream.linear.scatter [tilespmem:s25], [sflag:$0x2], $0x4000, $0x38;
	[tilespmem:$0x18000] =	vst v63  }
.LBB2_2:
0x22: {  	p1 =	slt.s32 s29, s7;
	s0 =	smov.u32 s7  }
0x23: {  	s4 =	sand.u32 $0x3, s31;
	s0 =	smov.u32 @p1 s29  }
0x24: {  	p1 =	sgt.s32 s4, $0x1;
	s0 =	sshll.u32 s0, $0x8  }
0x25: {  	p3 =	seq.s32 @p1 s4, $0x2;
	s0 =	sand.u32 $0x1FFFFF00, s0  }
0x26: {  	p2 =	por !p3, !p1;
	s0 =	sadd.s32 s1, s0  }
0x27: {  	s2 =	simm.s32 @!p2 $0x800;
	s20 =	simm.s32 @!p2 $0x7A1400;
	s21 =	simm.s32 @!p2 $0x4000  }
0x28: {  	[tilespmem:s21], [sflag:$0x1] =	stream.strided.gather @!p2 [hbm4b:s0+s2], $0x4000, s20, s2, $0x38;
	[tilespmem:$0x18000] =	vst v63  }
0x29: {  	s2 =	simm.s32 @!p2 $0x1  }
0x2a: {  	p3 =	por p3, !p1;
	_ =	swait.ge @!p2 [sflag:s2], $0x4000  }
0x2b: {  	s20 =	simm.s32 @!p3 $0x7A1400;
	[sflag:s2] =	ssyncset.done @!p2 $0x0  }
0x2c: {  	s21 =	simm.s32 @!p3 $0x8000;
	[sflag:s2] =	ssyncadd.s32 @!p2 $0xFFFFC000;
	s2 =	simm.s32 @!p3 $0x800  }
0x2d: {  	[tilespmem:s21], [sflag:$0x1] =	stream.strided.gather @!p3 [hbm4b:s0+s2], $0x4000, s20, s2, $0x38;
	[tilespmem:$0x18000] =	vst v63  }
0x2e: {  	s2 =	simm.s32 @!p3 $0x1  }
0x2f: {  	_ =	swait.ge @!p3 [sflag:s2], $0x4000  }
0x30: {  	p4 =	seq.s32 @!p1 s4, $0x0;
	[sflag:s2] =	ssyncset.done @!p3 $0x0  }
0x31: {  	[sflag:s2] =	ssyncadd.s32 @!p3 $0xFFFFC000;
	p3 =	por !p4, p1  }
0x32: {  	s2 =	simm.s32 @!p3 $0x800;
	s4 =	simm.s32 @!p3 $0x7A1400;
	s20 =	simm.s32 @!p3 $0xC000  }
0x33: {  	[tilespmem:s20], [sflag:$0x1] =	stream.strided.gather @!p3 [hbm4b:s0+s2], $0x4000, s4, s2, $0x38;
	[tilespmem:$0x18000] =	vst v63  }
0x34: {  	s2 =	simm.s32 @!p3 $0x1  }
0x35: {  	p4 =	por p4, p1;
	_ =	swait.ge @!p3 [sflag:s2], $0x4000  }
0x36: {  	s4 =	simm.s32 @!p4 $0x7A1400;
	[sflag:s2] =	ssyncset.done @!p3 $0x0  }
0x37: {  	s20 =	simm.s32 @!p4 $0x0;
	[sflag:s2] =	ssyncadd.s32 @!p3 $0xFFFFC000;
	s2 =	simm.s32 @!p4 $0x800  }
0x38: {  	[tilespmem:s20], [sflag:$0x1] =	stream.strided.gather @!p4 [hbm4b:s0+s2], $0x4000, s4, s2, $0x38;
	[tilespmem:$0x18000] =	vst v63  }
0x39: {  	s31 =	sadd.s32 $0x1, s31;
	s2 =	simm.s32 @!p4 $0x1  }
0x3a: {  	s4 =	simm.s32 @!p2 $0x10000;
	s0 =	simm.s32 @!p3 $0x10000;
	_ =	swait.ge @!p4 [sflag:s2], $0x4000  }
0x3b: {  	s4 =	simm.s32 @p2 $0x14000;
	s0 =	simm.s32 @p3 $0x14000;
	[sflag:s2] =	ssyncset.done @!p4 $0x0  }
0x3c: {  	s0 =	smov.u32 @p1 s4;
	p1 =	sne.s32 s5, s31;
	[sflag:s2] =	ssyncadd.s32 @!p4 $0xFFFFC000  }
.Ltmp0:
0x3d: {  	_ =	swait.ge [sflag:s26], $0x4000;
	(pc) =	sbr.rel @p1 .LBB2_2-.Ltmp0, $4  }
0x3e: {  	[sflag:s26] =	ssyncset.done $0x0  }
0x3f: {  	[sflag:s26] =	ssyncadd.s32 $0xFFFFC000  }
0x40: {  	[hbm4b:s30+s3] =	stream.linear.scatter [tilespmem:s0], [sflag:$0x2], $0x4000, $0x38;
	[tilespmem:$0x18000] =	vst v63  }
0x41: {  	s29 =	sadd.s32 $0x20, s29;
	s30 =	sadd.s32 $0x10000, s30  }
0x42: {  	_ =	swait.ge [sflag:s23], $0x4000  }
0x43: {  	[sflag:s23] =	ssyncset.done $0x0  }
0x44: {  	[sflag:s23] =	ssyncadd.s32 $0xFFFFC000  }
0x45: {  	_ =	swait.ge [sflag:s23], $0x4000  }
0x46: {  	[sflag:s23] =	ssyncset.done $0x0  }
0x47: {  	[sflag:s23] =	ssyncadd.s32 $0xFFFFC000  }
0x48: {  	_ =	swait.ge [sflag:s23], $0x4000  }
0x49: {  	[sflag:s23] =	ssyncset.done $0x0  }
0x4a: {  	[sflag:s23] =	ssyncadd.s32 $0xFFFFC000  }
0x4b: {  	_ =	swait.ge [sflag:s26], $0x4000  }
0x4c: {  	[sflag:s26] =	ssyncset.done $0x0  }
0x4d: {  	[sflag:s26] =	ssyncadd.s32 $0xFFFFC000  }
0x4e: {  	_ =	swait.ge [sflag:s26], $0x4000  }
0x4f: {  	[sflag:s26] =	ssyncset.done $0x0  }
0x50: {  	[sflag:s26] =	ssyncadd.s32 $0xFFFFC000  }
0x51: {  	s0 =	simm.s32 @!p0 $0x0;
	s2 =	simm.s32 @!p0 $0x10000;
	s4 =	rddreg [dreg:$0x1]  }
0x52: {  	[tilespmem:s2], [sflag:$0x3] =	stream.linear.gather @!p0 [hbm4b:s4+s0], $0x1400, $0x38;
	[tilespmem:$0x18000] =	vst v63  }
0x53: {  	s4 =	simm.s32 @!p0 $0x3  }
0x54: {  	s28 =	sadd.s32 $0x1, s28;
	_ =	swait.ge @!p0 [sflag:s4], $0x1400  }
0x55: {  	p1 =	sne.s32 s28, s11;
	[sflag:s4] =	ssyncset.done @!p0 $0x0  }
.Ltmp1:
0x56: {  	[sflag:s4] =	ssyncadd.s32 @!p0 $0xFFFFEC00;
	(pc) =	sbr.rel @p1 .LBB2_1-.Ltmp1, $4  }
0x57: {  	[hbm4b:s10+s0] =	stream.linear.scatter @!p0 [tilespmem:s2], [sflag:$0x3], $0x1400, $0x38;
	[tilespmem:$0x18000] =	vst v63  }
0x58: {  	_ =	swait.ge @!p0 [sflag:s4], $0x1400  }
0x59: {  	[sflag:s4] =	ssyncset.done @!p0 $0x0  }
0x5a: {  	[sflag:s4] =	ssyncadd.s32 @!p0 $0xFFFFEC00  }
0x5b: {  	_ =	sfence.sel $0x180000  }
0x5c: {  	[bflag:$0x0] =	sbarrier.arrive $0xFFFF  }
0x5d: {  	_ =	strace $0x90000047  }
0x5e: {  	s0 =	stileid.u32;
	[bflag:$0x2] =	sbarrier.arrive $0xFFFF  }
0x5f: {  	p0 =	sne.s32 s0, $0x0;
	s0 =	rddreg [dreg:$0x3]  }
0x60: {  	s0 =	sadd.s32 @!p0 $0x100000, s0  }
0x61: {  	[sflag:s0] =	ssyncadd.tile.s32 @!p0 $0x1;
	_ =	shalt  }
.Lfunc_end2:
_tile_overlayer_lowered:
.L_overlay_start_2:
0x62: {  	(tag) =	ssettag $0x2  }
0x63: {  	s0 =	rddreg [dreg:$0x0];
	s2 =	stileid.u32  }
0x64: {  	s1 =	rddreg [dreg:$0x1];
	p0 =	sne.s32 s2, $0x0  }
0x65: {  	s3 =	rddreg [dreg:$0x2];
	[bflag:$0x3] =	sbarrier.arrive $0xFFFF;
	s2 =	simm.s32 @!p0 $0x1C03  }
0x66: {  	[timem:s3], [sflag:s2] =	dma.local @!p0 [hbm:s0], s1  }
0x67: {  	s0 =	simm.s32 @!p0 $0x3  }
0x68: {  	_ =	swait.ge @!p0 [sflag:s0], s1  }
0x69: {  	s1 =	ssub.s32 @!p0 $0x0, s1;
	[sflag:s0] =	ssyncset.done @!p0 $0x0  }
0x6a: {  	[sflag:s0] =	ssyncadd.s32 @!p0 s1  }
0x6b: {  	[bflag:$0x3] =	sbarrier.arrive $0xFFFF  }
0x6c: {  	_ =	shalt  }

// kernel: kernel.8.cloned.1.call-start
scs
__scs_entry_jumppad:
0x0: {  	(pc) =	sbr.rel $0x88, $3  }
0x1: {  	(tag) =	ssettag $0x0;
	lr =	simm.s32 $0x1  }
0x2: {  	[smem:$0x3F9B] =	sst lr;
	_ =	strace $0xD0000000  }
0x3: {  	_ = 	snop  }
0x4: {  	_ = 	snop  }
0x5: {  	_ = 	snop  }
0x6: {  	_ = 	snop  }
0x7: {  	_ = 	snop  }
__scs_overlays_trampoline_lowered:
0x8: {  	[smem:$0x3FAA] =	sst s0  }
0x9: {  	[smem:$0x3FAB] =	sst s1  }
0xa: {  	[smem:$0x3FAC] =	sst s2  }
0xb: {  	[smem:$0x3FAD] =	sst s3  }
0xc: {  	[smem:$0x3FAE] =	sst s4  }
0xd: {  	[smem:$0x3FAF] =	sst s5  }
0xe: {  	[smem:$0x3FB0] =	sst s6  }
0xf: {  	[smem:$0x3FB1] =	sst s7  }
0x10: {  	[smem:$0x3FB2] =	sst s8  }
0x11: {  	[smem:$0x3FB3] =	sst s9;
	s0 =	simm.s32 @!p0 $0x0  }
0x12: {  	s1 =	sld [smem:$0x3F99];
	s0 =	simm.s32 @p0 $0x1  }
0x13: {  	[smem:$0x3FB4] =	sst s0;
	s0 =	simm.s32 @!p1 $0x0  }
0x14: {  	s2 =	sld [smem:$0x3F98];
	s0 =	simm.s32 @p1 $0x1  }
0x15: {  	[smem:$0x3FB5] =	sst s0;
	s0 =	simm.s32 @!p2 $0x0  }
0x16: {  	s3 =	sld [smem:$0x3FDB];
	s0 =	simm.s32 @p2 $0x1  }
0x17: {  	s4 =	simm.s32 $0x1BF5;
	[smem:$0x3FB7] =	sst s0  }
0x18: {  	s0 =	sld [smem:$0x3F9A];
	_ =	swait.ge [sflag:s4], $0x0  }
0x19: {  	s7 =	sld [smem:$0x3F9B]  }
0x1a: {  	s8 =	sadd.s32 $0xFFFFE003, lr  }
0x1b: {  	s9 =	sadd.s32 $0xFFFFFEF7, lr;
	s5 =	simm.s32 $0xFFFFFFFF;
	p2 =	slt.u32 s8, $0xFFFFF086  }
0x1c: {  	p1 =	slt.u32 s9, $0xF7A;
	s5 =	simm.s32 @!p2 $0x0  }
0x1d: {  	s5 =	simm.s32 @p1 $0x1;
	p0 =	seq.s32 s7, s2  }
0x1e: {  	s7 =	smul.u32 @!p0 $0xF7A, s2;
	p2 =	seq.s32 @!p0 s5, $0x0  }
0x1f: {  	s9 =	smul.u32 $0xF7A, s1;
	s8 =	simm.s32 @!p0 $0x1BF5;
	p2 =	por !p2, p0  }
0x20: {  	[sflag:s8] =	ssyncset.s32 @!p0 $0xFFFFF086;
	s6 =	sadd.s32 @!p0 s3, s7;
	s7 =	simm.s32 @!p0 $0x108  }
0x21: {  	s3 =	sadd.s32 s3, s9;
	s6 =	sadd.s32 @!p0 $0x88, s6;
	s7 =	simm.s32 @p2 $0x1082  }
0x22: {  	[simem:s7], [sflag:s8] =	dma.local @!p0 [hbm:s6], $0xF7A  }
0x23: {  	s9 =	sor.u32 $0xD0000000, s2;
	s6 =	simm.s32 $0x108;
	_ =	swait.ge @!p0 [sflag:s8], $0x0  }
0x24: {  	s3 =	sadd.s32 $0x88, s3;
	s6 =	simm.s32 @!p1 $0x1082;
	[sflag:s4] =	ssyncset.s32 $0xFFFFF086  }
0x25: {  	[simem:s6], [sflag:s4] =	dma.local [hbm:s3], $0xF7A  }
0x26: {  	[smem:$0x3F9B] =	sst s1;
	(tag) =	ssettag s2;
	_ =	strace s9  }
0x27: {  	s1 =	sld [smem:$0x3FAB]  }
0x28: {  	s2 =	sld [smem:$0x3FAC]  }
0x29: {  	s4 =	sld [smem:$0x3FAE]  }
0x2a: {  	p0 =	seq.s32 s5, $0x0;
	s5 =	sld [smem:$0x3FAF]  }
0x2b: {  	s6 =	sld [smem:$0x3FB0]  }
0x2c: {  	s7 =	sld [smem:$0x3FB1]  }
0x2d: {  	s3 =	simm.s32 $0x108;
	s8 =	sld [smem:$0x3FB2]  }
0x2e: {  	s3 =	simm.s32 @!p0 $0x1082;
	s9 =	sld [smem:$0x3FB3]  }
0x2f: {  	lr =	sadd.s32 s0, s3;
	s0 =	sld [smem:$0x3FAA]  }
0x30: {  	s3 =	sld [smem:$0x3FAD]  }
0x31: {  	[smem:$0x3FB6] =	sst s10  }
0x32: {  	s10 =	sld [smem:$0x3FB4];
	_ =	sdelay $0x3  }
0x33: {  	p0 =	seq.s32 s10, $0x1;
	s10 =	sld [smem:$0x3FB6];
	_ =	sdelay $0x3  }
0x34: {  	[smem:$0x3FB6] =	sst s10  }
0x35: {  	s10 =	sld [smem:$0x3FB5];
	_ =	sdelay $0x3  }
0x36: {  	p1 =	seq.s32 s10, $0x1;
	s10 =	sld [smem:$0x3FB6];
	_ =	sdelay $0x3  }
0x37: {  	[smem:$0x3FB6] =	sst s10  }
0x38: {  	s10 =	sld [smem:$0x3FB7]  }
0x39: {  	_ = 	snop;
	(pc) =	sbr.ind lr, $3  }
0x3a: {  	_ = 	snop  }
0x3b: {  	_ = 	snop  }
0x3c: {  	p2 =	seq.s32 s10, $0x1;
	s10 =	sld [smem:$0x3FB6]  }
0x3d: {  	_ =	shalt  }
0x3e: {  	_ =	shalt  }
0x3f: {  	_ =	shalt  }
0x40: {  	_ =	shalt  }
0x41: {  	_ =	shalt  }
0x42: {  	_ =	shalt  }
0x43: {  	_ =	shalt  }
0x44: {  	_ =	shalt  }
0x45: {  	_ =	shalt  }
0x46: {  	_ =	shalt  }
0x47: {  	_ =	shalt  }
0x48: {  	_ =	shalt  }
0x49: {  	_ =	shalt  }
0x4a: {  	_ =	shalt  }
0x4b: {  	_ =	shalt  }
0x4c: {  	_ =	shalt  }
0x4d: {  	_ =	shalt  }
0x4e: {  	_ =	shalt  }
0x4f: {  	_ =	shalt  }
0x50: {  	_ =	shalt  }
0x51: {  	_ =	shalt  }
0x52: {  	_ =	shalt  }
0x53: {  	_ =	shalt  }
0x54: {  	_ =	shalt  }
0x55: {  	_ =	shalt  }
0x56: {  	_ =	shalt  }
0x57: {  	_ =	shalt  }
0x58: {  	_ =	shalt  }
0x59: {  	_ =	shalt  }
0x5a: {  	_ =	shalt  }
0x5b: {  	_ =	shalt  }
0x5c: {  	_ =	shalt  }
0x5d: {  	_ =	shalt  }
0x5e: {  	_ =	shalt  }
0x5f: {  	_ =	shalt  }
0x60: {  	_ =	shalt  }
0x61: {  	_ =	shalt  }
0x62: {  	_ =	shalt  }
0x63: {  	_ =	shalt  }
0x64: {  	_ =	shalt  }
0x65: {  	_ =	shalt  }
0x66: {  	_ =	shalt  }
0x67: {  	_ =	shalt  }
0x68: {  	_ =	shalt  }
0x69: {  	_ =	shalt  }
0x6a: {  	_ =	shalt  }
0x6b: {  	_ =	shalt  }
0x6c: {  	_ =	shalt  }
0x6d: {  	_ =	shalt  }
0x6e: {  	_ =	shalt  }
0x6f: {  	_ =	shalt  }
0x70: {  	_ =	shalt  }
0x71: {  	_ =	shalt  }
0x72: {  	_ =	shalt  }
0x73: {  	_ =	shalt  }
0x74: {  	_ =	shalt  }
0x75: {  	_ =	shalt  }
0x76: {  	_ =	shalt  }
0x77: {  	_ =	shalt  }
0x78: {  	_ =	shalt  }
0x79: {  	_ =	shalt  }
0x7a: {  	_ =	shalt  }
0x7b: {  	_ =	shalt  }
0x7c: {  	_ =	shalt  }
0x7d: {  	_ =	shalt  }
0x7e: {  	_ =	shalt  }
0x7f: {  	_ =	shalt  }
0x80: {  	_ =	shalt  }
0x81: {  	_ =	shalt  }
0x82: {  	_ =	shalt  }
0x83: {  	_ =	shalt  }
0x84: {  	_ =	shalt  }
0x85: {  	_ =	shalt  }
0x86: {  	_ =	shalt  }
0x87: {  	_ =	shalt  }
.Lfunc_end0:
.L_simem_size_0:
called_computation.1_lowered:
.L_overlay_start_0:
0x88: {  	s2 =	sld [smem:$0x3FD9]  }
0x89: {  	s3 =	sld [smem:$0x3FFE];
	_ =	sdelay $0x1  }
0x8a: {  	s1 =	srdreg.scid  }
0x8b: {  	s0 =	sand.u32 $0x1, s1  }
0x8c: {  	s17 =	sshll.u32 s0, $0xA;
	s2 =	sadd.s32 s3, s2  }
0x8d: {  	s2 =	sadd.s32 s2, s17  }
0x8e: {  	[smem:$0x3FC2] =	sst s2  }
0x8f: {  	_ = 	snop  }
0x90: {  	s2 =	sld [smem:$0x3FD0];
	(tm) =	ssettm $0x1  }
0x91: {  	s18 =	sld [smem:$0x3FFB];
	_ =	sdelay $0x3  }
0x92: {  	_ =	strace s18  }
0x93: {  	s3 =	sld [smem:$0x3FFC];
	_ =	sdelay $0x3  }
0x94: {  	_ =	strace s3  }
0x95: {  	s3 =	sld [smem:$0x3FFD];
	_ =	sdelay $0x3  }
0x96: {  	_ =	strace s3  }
0x97: {  	_ =	strace $0x8FFFFFFF  }
0x98: {  	s19 =	sld [smem:$0x3FDB];
	_ =	sdelay $0x1  }
0x99: {  	s4 =	simm.s32 $_scs_section_size  }
0x9a: {  	s5 =	simm.s32 $_size__tile_overlayer_lowered;
	s6 =	simm.s32 $_tile_overlayer_lowered  }
0x9b: {  	s22 =	simm.s32 $0x1BFF;
	s21 =	sshll.u32 s6, $0x1;
	s3 =	sadd.s32 s4, s19  }
0x9c: {  	s7 =	simm.s32 $0x0;
	s20 =	sshll.u32 s5, $0x1;
	s5 =	sadd.s32 s21, s3  }
0x9d: {  	[timem:s7], [sflag:s22] =	dma.local [hbm:s5], s20  }
0x9e: {  	_ =	swait.ge [sflag:s22], s20  }
0x9f: {  	s4 =	ssub.s32 $0x0, s20;
	[sflag:s22] =	ssyncset.done $0x0  }
0xa0: {  	[sflag:s22] =	ssyncadd.s32 s4;
	_ =	sdelay $0x1  }
0xa1: {  	s23 =	simm.s32 $0x1B8B  }
0xa2: {  	_ =	swait.ge [sflag:s23], $0x1  }
0xa3: {  	[sflag:s23] =	ssyncset.done $0x0  }
0xa4: {  	s25 =	simm.s32 $0x1B8E;
	s24 =	sld [smem:$0x3FFE];
	[sflag:s23] =	ssyncadd.s32 $0xFFFFFFFF  }
0xa5: {  	s26 =	simm.s32 $execute0_lowered;
	[smem:$0x3FD2] =	sst s25  }
0xa6: {  	s5 =	sshll.u32 s26, $0x1;
	_ =	strace $0x80000049;
	[dreg:$0x1] =	wrdreg $0xFFFFFFFF  }
0xa7: {  	s28 =	simm.s32 $_size_execute0_lowered;
	s3 =	sadd.s32 s3, s5;
	[dreg:$0x0] =	wrdreg $0x0  }
0xa8: {  	s5 =	sshll.u32 s28, $0x1;
	[dreg:$0x2] =	wrdreg s3  }
0xa9: {  	[dreg:$0x3] =	wrdreg s5  }
0xaa: {  	[dreg:$0x4] =	wrdreg $0xC0  }
0xab: {  	_ =	task [dreg:s7], $0x5FFFF  }
0xac: {  	[dreg:$0x1] =	wrdreg $0xFFFFFFFF  }
0xad: {  	[dreg:$0x0] =	wrdreg $0x60  }
0xae: {  	[dreg:$0x2] =	wrdreg s24  }
0xaf: {  	[dreg:$0x3] =	wrdreg s2  }
0xb0: {  	[dreg:$0x4] =	wrdreg $0x9  }
0xb1: {  	_ =	task.clear_ibuf [dreg:s7], $0x5FFFF;
	_ =	strace $0x90000049  }
0xb2: {  	s29 =	simm.s32 $0x9;
	_ =	strace $0x8000004B  }
0xb3: {  	_ =	swait.ge [sflag:s29], $0x1  }
0xb4: {  	[sflag:s29] =	ssyncadd.s32 $0xFFFFFFFF  }
0xb5: {  	_ =	strace $0x9000004B  }
0xb6: {  	_ =	sfence  }
0xb7: {  	s30 =	sld [smem:$0x0];
	_ =	sdelay $0x2  }
0xb8: {  	s31 =	sshll.u32 s1, $0xD;
	s1 =	sshrl.u32 s1, $0x2  }
0xb9: {  	s3 =	sand.u32 $0x4000, s31;
	s1 =	sadd.s32 s1, s30  }
0xba: {  	s0 =	sor.u32 s3, s0;
	s1 =	sshll.u32 s1, $0x11  }
0xbb: {  	s0 =	sor.u32 s1, s0  }
0xbc: {  	s0 =	sadd.s32 $0x8F2B, s0  }
0xbd: {  	[sflag:s0] =	ssyncadd.remote.s32 $0x1  }
0xbe: {  	_ =	sfence.sel $0xFFFF  }
0xbf: {  	[dreg:$0x0] =	wrdreg $0xFFFFFFFF;
	(pc) =	sbr.abs _section_cstart, $3  }
0xc0: {  	[dreg:$0x1] =	wrdreg $0xFFFFFFFF  }
0xc1: {  	_ =	task.clear_ibuf [dreg:s7], $0x2FFFF;
	_ =	strace $0x9FFFFFFF  }
0xc2: {  	(tm) =	ssettm $0x7FFFFFFF  }
0xc3: {  	_ =	shalt  }
tec
execute0_lowered:
.L_overlay_start_1:
0x0: {  	(tag) =	ssettag $0x1  }
0x1: {  	s1 =	srdreg.scid  }
0x2: {  	s0 =	stileid.u32;
	s4 =	rddreg [dreg:$0x0]  }
0x3: {  	s5 =	rddreg [dreg:$0x1];
	s9 =	simm.s32 $0x6400;
	s10 =	simm.s32 $0x48  }
0x4: {  	s11 =	simm.s32 $0x8400;
	s12 =	simm.s32 $0x9600;
	s13 =	simm.s32 $0xB600  }
0x5: {  	s14 =	simm.s32 $0x1;
	s15 =	simm.s32 $0x2;
	s16 =	simm.s32 $0xC800  }
0x6: {  	s17 =	simm.s32 $0x0;
	s3 =	sand.u32 $0x1, s1;
	s30 =	sshll.u32 s0, $0x8  }
0x7: {  	s1 =	rddreg [dreg:$0x2];
	s2 =	sshll.u32 s3, $0x7;
	s8 =	ssub.s32 $0x2, s3  }
0x8: {  	s3 =	sadd.s32 $0x1200, s4;
	s6 =	sor.u32 s2, s30;
	s2 =	simm.s32 $0x0  }
0x9: {  	s31 =	sshrl.u32 s8, $0x1;
	s7 =	smul.u32 $0x19, s6;
	[smem:$0x7FF] =	sst s2  }
0xa: {  	s6 =	sshll.u32 s6, $0x3;
	s8 =	ssub.s32 s8, s31;
	_ =	strace $0x8000004A  }
0xb: {  	s5 =	sadd.s32 s5, s6;
	s6 =	smax.u32 s8, $0x1;
	s7 =	sadd.s32 s7, s4  }
0xc: {  	s8 =	simm.s32 $0x80;
	s4 =	sadd.s32 $0x7A2600, s7;
	s7 =	simm.s32 $0x3  }
.LBB2_1:
0xd: {  	[tilespmem:s2], [sflag:$0x3] =	stream.linear.gather [hbm4b:s4+s2], $0x6400, $0x38;
	[tilespmem:$0xE800] =	vst v63  }
0xe: {  	_ =	swait.ge [sflag:s7], $0x6400  }
0xf: {  	[sflag:s7] =	ssyncset.done $0x0  }
0x10: {  	[sflag:s7] =	ssyncadd.s32 $0xFFFF9C00  }
0x11: {  	[tilespmem:s9], [sflag:$0x1] =	stream.indirect.gather [hbm4b:s3+s8], $0x40, s2, s8, $0xb8;
	[tilespmem:$0xE800] =	vst v63  }
0x12: {  	s18 =	simm.s32 $0x0  }
0x13: {  	[tilespmem:s11], [sflag:$0x1] =	stream.indirect.gather [hbm4b:s3+s10], $0x40, s8, s10, $0xb8;
	[tilespmem:$0xE800] =	vst v63  }
.LBB2_2:
0x14: {  	s19 =	sshllo.u32 s18, $0x1  }
0x15: {  	s20 =	smul.u32 $0x320, s19;
	_ =	sdelay $0x1  }
0x16: {  	s20 =	sshra.s32 s20, $0x2  }
0x17: {  	[tilespmem:s12], [sflag:$0x2] =	stream.indirect.gather [hbm4b:s3+s8], $0x40, s20, s8, $0xb8;
	[tilespmem:$0xE800] =	vst v63  }
0x18: {  	s20 =	sadd.s32 $0x80, s20  }
0x19: {  	[tilespmem:s13], [sflag:$0x2] =	stream.indirect.gather [hbm4b:s3+s10], $0x40, s20, s10, $0xb8;
	[tilespmem:$0xE800] =	vst v63  }
0x1a: {  	_ =	swait.ge [sflag:s14], $0x3200  }
0x1b: {  	[sflag:s14] =	ssyncset.done $0x0  }
0x1c: {  	s22 =	simm.s32 $0x6500;
	[sflag:s14] =	ssyncadd.s32 $0xFFFFCE00  }
0x1d: {  	v0 =	vld [tilespmem:s22+$0xC0]  }
0x1e: {  	v1 =	vld [tilespmem:s22+$0xD0]  }
0x1f: {  	v2 =	vld [tilespmem:s22+$0x80]  }
0x20: {  	v3 =	vld [tilespmem:s22+$0x90]  }
0x21: {  	v9 =	vld [tilespmem:s22+$0x40]  }
0x22: {  	v12 =	vld [tilespmem:s22+$0x50]  }
0x23: {  	v5 =	vld [tilespmem:s22+$0x0]  }
0x24: {  	v8 =	vld [tilespmem:s22+$0x10]  }
0x25: {  	v6 =	vld [tilespmem:s22+$0xFFFFFFC0]  }
0x26: {  	v7 =	vld [tilespmem:s22+$0xFFFFFFD0]  }
0x27: {  	v4 =	vld [tilespmem:s22+$0xFFFFFF80]  }
0x28: {  	v10 =	vld [tilespmem:s22+$0xFFFFFF90]  }
0x29: {  	v11 =	vld [tilespmem:s22+$0xFFFFFF40]  }
0x2a: {  	v13 =	vld [tilespmem:s22+$0xFFFFFF50]  }
0x2b: {  	v14 =	vld [tilespmem:s22+$0xFFFFFF00]  }
0x2c: {  	v15 =	vld [tilespmem:s22+$0xFFFFFF10]  }
0x2d: {  	v16 =	vld [tilespmem:s22+$0xFFFFFF20]  }
0x2e: {  	v17 =	vld [tilespmem:s22+$0xFFFFFF30]  }
0x2f: {  	v18 =	vld [tilespmem:s22+$0xFFFFFF60]  }
0x30: {  	v19 =	vld [tilespmem:s22+$0xFFFFFF70]  }
0x31: {  	v20 =	vimm.f32 $0.0e+00;
	v21 =	vld [tilespmem:s22+$0xFFFFFFA0]  }
0x32: {  	v22 =	vld [tilespmem:s22+$0xFFFFFFB0];
	v14 =	vadd.f32 v14, v20;
	v15 =	vadd.f32 v15, v20  }
0x33: {  	v59 =	vld [tilespmem:s22+$0xFFFFFFE0];
	v16 =	vadd.f32 v16, v20;
	v17 =	vadd.f32 v17, v20  }
0x34: {  	v11 =	vadd.f32 v11, v14;
	v13 =	vadd.f32 v13, v15;
	v14 =	vld [tilespmem:s22+$0xFFFFFFF0]  }
0x35: {  	v61 =	vld [tilespmem:s22+$0x20];
	v15 =	vadd.f32 v18, v16;
	v60 =	vadd.f32 v19, v17  }
0x36: {  	v11 =	vadd.f32 v4, v11;
	v10 =	vadd.f32 v10, v13;
	v13 =	vld [tilespmem:s22+$0x30]  }
0x37: {  	v15 =	vadd.f32 v21, v15;
	v16 =	vadd.f32 v22, v60;
	v4 =	vld [tilespmem:s22+$0x60]  }
0x38: {  	v11 =	vadd.f32 v6, v11;
	v10 =	vadd.f32 v7, v10;
	v7 =	vld [tilespmem:s22+$0x70]  }
0x39: {  	v15 =	vadd.f32 v59, v15;
	v6 =	vld [tilespmem:s22+$0xA0];
	v14 =	vadd.f32 v14, v16  }
0x3a: {  	v62 =	vadd.f32 v5, v11;
	v63 =	vadd.f32 v8, v10;
	v8 =	vld [tilespmem:s22+$0xB0]  }
0x3b: {  	v11 =	vadd.f32 v61, v15;
	v5 =	vld [tilespmem:s22+$0xE0];
	v10 =	vadd.f32 v13, v14  }
0x3c: {  	s21 =	simm.s32 $0x0;
	s20 =	sshll.u32 s18, $0x1;
	v13 =	vadd.f32 v9, v62;
	v12 =	vadd.f32 v12, v63;
	v9 =	vld [tilespmem:s22+$0xF0];
	s22 =	simm.s32 $0x6700  }
.LBB2_3:
0x3d: {  	v14 =	vld [tilespmem:s22+$0xC0];
	v4 =	vadd.f32 v4, v11;
	v7 =	vadd.f32 v7, v10  }
0x3e: {  	v10 =	vld [tilespmem:s22+$0xD0];
	v11 =	vadd.f32 v2, v13;
	v12 =	vadd.f32 v3, v12  }
0x3f: {  	v2 =	vld [tilespmem:s22+$0x80];
	v4 =	vadd.f32 v6, v4;
	v6 =	vadd.f32 v8, v7  }
0x40: {  	v3 =	vld [tilespmem:s22+$0x90];
	v7 =	vadd.f32 v0, v11;
	v8 =	vadd.f32 v1, v12  }
0x41: {  	v12 =	vld [tilespmem:s22+$0x40];
	v4 =	vadd.f32 v5, v4;
	v5 =	vadd.f32 v9, v6  }
0x42: {  	v9 =	vld [tilespmem:s22+$0x50];
	v0 =	vmov v14  }
0x43: {  	v11 =	vld [tilespmem:s22+$0x0];
	v1 =	vmov v10  }
0x44: {  	v10 =	vld [tilespmem:s22+$0x10]  }
0x45: {  	v6 =	vld [tilespmem:s22+$0xFFFFFFC0]  }
0x46: {  	v13 =	vld [tilespmem:s22+$0xFFFFFFD0]  }
0x47: {  	v14 =	vld [tilespmem:s22+$0xFFFFFF80]  }
0x48: {  	v15 =	vld [tilespmem:s22+$0xFFFFFF90]  }
0x49: {  	v16 =	vld [tilespmem:s22+$0xFFFFFF40]  }
0x4a: {  	v17 =	vld [tilespmem:s22+$0xFFFFFF50]  }
0x4b: {  	v18 =	vld [tilespmem:s22+$0xFFFFFF00]  }
0x4c: {  	v19 =	vld [tilespmem:s22+$0xFFFFFF10]  }
0x4d: {  	v20 =	vld [tilespmem:s22+$0xFFFFFF20]  }
0x4e: {  	s21 =	sadd.s32 $0x8, s21;
	v21 =	vld [tilespmem:s22+$0xFFFFFF30]  }
0x4f: {  	p0 =	slt.u32 s21, $0xC0;
	v22 =	vld [tilespmem:s22+$0xFFFFFF60]  }
0x50: {  	v23 =	vld [tilespmem:s22+$0xFFFFFF70]  }
0x51: {  	v24 =	vld [tilespmem:s22+$0xFFFFFFA0]  }
0x52: {  	v7 =	vadd.f32 v18, v7;
	v8 =	vadd.f32 v19, v8;
	v18 =	vld [tilespmem:s22+$0xFFFFFFB0]  }
0x53: {  	v4 =	vadd.f32 v20, v4;
	v5 =	vadd.f32 v21, v5;
	v19 =	vld [tilespmem:s22+$0xFFFFFFE0]  }
0x54: {  	v7 =	vadd.f32 v16, v7;
	v8 =	vadd.f32 v17, v8;
	v16 =	vld [tilespmem:s22+$0xFFFFFFF0]  }
0x55: {  	v4 =	vadd.f32 v22, v4;
	v5 =	vadd.f32 v23, v5;
	v17 =	vld [tilespmem:s22+$0x20]  }
0x56: {  	v7 =	vadd.f32 v14, v7;
	v8 =	vadd.f32 v15, v8;
	v14 =	vld [tilespmem:s22+$0x30]  }
0x57: {  	v15 =	vadd.f32 v24, v4;
	v5 =	vadd.f32 v18, v5;
	v4 =	vld [tilespmem:s22+$0x60]  }
.Ltmp0:
0x58: {  	v18 =	vadd.f32 v6, v7;
	v8 =	vadd.f32 v13, v8;
	v7 =	vld [tilespmem:s22+$0x70];
	(pc) =	sbr.rel @p0 .LBB2_3-.Ltmp0, $4  }
0x59: {  	v13 =	vadd.f32 v19, v15;
	v5 =	vadd.f32 v16, v5;
	v6 =	vld [tilespmem:s22+$0xA0]  }
0x5a: {  	v15 =	vadd.f32 v11, v18;
	v16 =	vadd.f32 v10, v8;
	v8 =	vld [tilespmem:s22+$0xB0]  }
0x5b: {  	v11 =	vadd.f32 v17, v13;
	v10 =	vadd.f32 v14, v5;
	v5 =	vld [tilespmem:s22+$0xE0]  }
0x5c: {  	v13 =	vadd.f32 v12, v15;
	v12 =	vadd.f32 v9, v16;
	v9 =	vld [tilespmem:s22+$0xF0];
	s22 =	sadd.s32 $0x200, s22  }
0x5d: {  	_ = 	snop  }
0x5e: {  	v4 =	vadd.f32 v4, v11;
	v2 =	vadd.f32 v2, v13  }
0x5f: {  	v7 =	vadd.f32 v7, v10;
	v3 =	vadd.f32 v3, v12  }
0x60: {  	s21 =	sshll.u32 s18, $0x7;
	v4 =	vadd.f32 v6, v4;
	v0 =	vadd.f32 v0, v2  }
0x61: {  	s20 =	smin.u32 s20, $0x7D;
	s21 =	sand.u32 $0x3FFFFF80, s21;
	v2 =	vadd.f32 v8, v7;
	v1 =	vadd.f32 v1, v3  }
0x62: {  	s20 =	smul.u32 $0x320, s20;
	v3 =	vadd.f32 v5, v4;
	[tilespmem:s21+$0xC800] =	vst v0  }
0x63: {  	v0 =	vadd.f32 v9, v2;
	[tilespmem:s21+$0xC810] =	vst v1  }
0x64: {  	s20 =	sshrl.u32 s20, $0x2;
	[tilespmem:s21+$0xC820] =	vst v3  }
0x65: {  	s30 =	sadd.s32 $0x190, s20;
	[tilespmem:s21+$0xC830] =	vst v0  }
0x66: {  	[tilespmem:s9], [sflag:$0x1] =	stream.indirect.gather [hbm4b:s3+s8], $0x40, s30, s8, $0xb8;
	[tilespmem:$0xE800] =	vst v63  }
0x67: {  	s20 =	sadd.s32 $0x210, s20  }
0x68: {  	[tilespmem:s11], [sflag:$0x1] =	stream.indirect.gather [hbm4b:s3+s10], $0x40, s20, s10, $0xb8;
	[tilespmem:$0xE800] =	vst v63  }
0x69: {  	_ =	swait.ge [sflag:s15], $0x3200  }
0x6a: {  	[sflag:s15] =	ssyncset.done $0x0  }
0x6b: {  	s31 =	simm.s32 $0x9700;
	[sflag:s15] =	ssyncadd.s32 $0xFFFFCE00  }
0x6c: {  	v0 =	vld [tilespmem:s31+$0xC0]  }
0x6d: {  	v1 =	vld [tilespmem:s31+$0xD0]  }
0x6e: {  	v2 =	vld [tilespmem:s31+$0x80]  }
0x6f: {  	v3 =	vld [tilespmem:s31+$0x90]  }
0x70: {  	v9 =	vld [tilespmem:s31+$0x40]  }
0x71: {  	v12 =	vld [tilespmem:s31+$0x50]  }
0x72: {  	v6 =	vld [tilespmem:s31+$0x0]  }
0x73: {  	v8 =	vld [tilespmem:s31+$0x10]  }
0x74: {  	v5 =	vld [tilespmem:s31+$0xFFFFFFC0]  }
0x75: {  	v7 =	vld [tilespmem:s31+$0xFFFFFFD0]  }
0x76: {  	v4 =	vld [tilespmem:s31+$0xFFFFFF80]  }
0x77: {  	v10 =	vld [tilespmem:s31+$0xFFFFFF90]  }
0x78: {  	v11 =	vld [tilespmem:s31+$0xFFFFFF40]  }
0x79: {  	v13 =	vld [tilespmem:s31+$0xFFFFFF50]  }
0x7a: {  	v14 =	vld [tilespmem:s31+$0xFFFFFF00]  }
0x7b: {  	v15 =	vld [tilespmem:s31+$0xFFFFFF10]  }
0x7c: {  	v16 =	vld [tilespmem:s31+$0xFFFFFF20]  }
0x7d: {  	v17 =	vld [tilespmem:s31+$0xFFFFFF30]  }
0x7e: {  	v18 =	vld [tilespmem:s31+$0xFFFFFF60]  }
0x7f: {  	v19 =	vld [tilespmem:s31+$0xFFFFFF70]  }
0x80: {  	v20 =	vimm.f32 $0.0e+00;
	v21 =	vld [tilespmem:s31+$0xFFFFFFA0]  }
0x81: {  	v22 =	vld [tilespmem:s31+$0xFFFFFFB0];
	v14 =	vadd.f32 v14, v20;
	v15 =	vadd.f32 v15, v20  }
0x82: {  	v59 =	vld [tilespmem:s31+$0xFFFFFFE0];
	v16 =	vadd.f32 v16, v20;
	v17 =	vadd.f32 v17, v20  }
0x83: {  	v11 =	vadd.f32 v11, v14;
	v13 =	vadd.f32 v13, v15;
	v14 =	vld [tilespmem:s31+$0xFFFFFFF0]  }
0x84: {  	v61 =	vld [tilespmem:s31+$0x20];
	v15 =	vadd.f32 v18, v16;
	v60 =	vadd.f32 v19, v17  }
0x85: {  	v11 =	vadd.f32 v4, v11;
	v10 =	vadd.f32 v10, v13;
	v13 =	vld [tilespmem:s31+$0x30]  }
0x86: {  	v15 =	vadd.f32 v21, v15;
	v16 =	vadd.f32 v22, v60;
	v4 =	vld [tilespmem:s31+$0x60]  }
0x87: {  	v11 =	vadd.f32 v5, v11;
	v10 =	vadd.f32 v7, v10;
	v7 =	vld [tilespmem:s31+$0x70]  }
0x88: {  	v15 =	vadd.f32 v59, v15;
	v5 =	vld [tilespmem:s31+$0xA0];
	v14 =	vadd.f32 v14, v16  }
0x89: {  	v62 =	vadd.f32 v6, v11;
	v63 =	vadd.f32 v8, v10;
	v8 =	vld [tilespmem:s31+$0xB0]  }
0x8a: {  	v11 =	vadd.f32 v61, v15;
	v6 =	vld [tilespmem:s31+$0xE0];
	v10 =	vadd.f32 v13, v14  }
0x8b: {  	s21 =	simm.s32 $0x9900;
	s20 =	simm.s32 $0x0;
	v13 =	vadd.f32 v9, v62;
	v12 =	vadd.f32 v12, v63;
	v9 =	vld [tilespmem:s31+$0xF0]  }
.LBB2_5:
0x8c: {  	v14 =	vld [tilespmem:s21+$0xC0];
	v4 =	vadd.f32 v4, v11;
	v7 =	vadd.f32 v7, v10  }
0x8d: {  	v10 =	vld [tilespmem:s21+$0xD0];
	v11 =	vadd.f32 v2, v13;
	v12 =	vadd.f32 v3, v12  }
0x8e: {  	v2 =	vld [tilespmem:s21+$0x80];
	v4 =	vadd.f32 v5, v4;
	v5 =	vadd.f32 v8, v7  }
0x8f: {  	v3 =	vld [tilespmem:s21+$0x90];
	v7 =	vadd.f32 v0, v11;
	v8 =	vadd.f32 v1, v12  }
0x90: {  	v12 =	vld [tilespmem:s21+$0x40];
	v4 =	vadd.f32 v6, v4;
	v5 =	vadd.f32 v9, v5  }
0x91: {  	v9 =	vld [tilespmem:s21+$0x50];
	v0 =	vmov v14  }
0x92: {  	v6 =	vld [tilespmem:s21+$0x0];
	v1 =	vmov v10  }
0x93: {  	v10 =	vld [tilespmem:s21+$0x10]  }
0x94: {  	v11 =	vld [tilespmem:s21+$0xFFFFFFC0]  }
0x95: {  	v13 =	vld [tilespmem:s21+$0xFFFFFFD0]  }
0x96: {  	v14 =	vld [tilespmem:s21+$0xFFFFFF80]  }
0x97: {  	v15 =	vld [tilespmem:s21+$0xFFFFFF90]  }
0x98: {  	v16 =	vld [tilespmem:s21+$0xFFFFFF40]  }
0x99: {  	v17 =	vld [tilespmem:s21+$0xFFFFFF50]  }
0x9a: {  	v18 =	vld [tilespmem:s21+$0xFFFFFF00]  }
0x9b: {  	v19 =	vld [tilespmem:s21+$0xFFFFFF10]  }
0x9c: {  	v20 =	vld [tilespmem:s21+$0xFFFFFF20]  }
0x9d: {  	s20 =	sadd.s32 $0x8, s20;
	v21 =	vld [tilespmem:s21+$0xFFFFFF30]  }
0x9e: {  	p0 =	slt.u32 s20, $0xC0;
	v22 =	vld [tilespmem:s21+$0xFFFFFF60]  }
0x9f: {  	v23 =	vld [tilespmem:s21+$0xFFFFFF70]  }
0xa0: {  	v24 =	vld [tilespmem:s21+$0xFFFFFFA0]  }
0xa1: {  	v7 =	vadd.f32 v18, v7;
	v8 =	vadd.f32 v19, v8;
	v18 =	vld [tilespmem:s21+$0xFFFFFFB0]  }
0xa2: {  	v4 =	vadd.f32 v20, v4;
	v5 =	vadd.f32 v21, v5;
	v19 =	vld [tilespmem:s21+$0xFFFFFFE0]  }
0xa3: {  	v7 =	vadd.f32 v16, v7;
	v8 =	vadd.f32 v17, v8;
	v16 =	vld [tilespmem:s21+$0xFFFFFFF0]  }
0xa4: {  	v4 =	vadd.f32 v22, v4;
	v5 =	vadd.f32 v23, v5;
	v17 =	vld [tilespmem:s21+$0x20]  }
0xa5: {  	v7 =	vadd.f32 v14, v7;
	v8 =	vadd.f32 v15, v8;
	v14 =	vld [tilespmem:s21+$0x30]  }
0xa6: {  	v15 =	vadd.f32 v24, v4;
	v5 =	vadd.f32 v18, v5;
	v4 =	vld [tilespmem:s21+$0x60]  }
.Ltmp1:
0xa7: {  	v11 =	vadd.f32 v11, v7;
	v8 =	vadd.f32 v13, v8;
	v7 =	vld [tilespmem:s21+$0x70];
	(pc) =	sbr.rel @p0 .LBB2_5-.Ltmp1, $4  }
0xa8: {  	v13 =	vadd.f32 v19, v15;
	v15 =	vadd.f32 v16, v5;
	v5 =	vld [tilespmem:s21+$0xA0]  }
0xa9: {  	v16 =	vadd.f32 v6, v11;
	v18 =	vadd.f32 v10, v8;
	v8 =	vld [tilespmem:s21+$0xB0]  }
0xaa: {  	v11 =	vadd.f32 v17, v13;
	v10 =	vadd.f32 v14, v15;
	v6 =	vld [tilespmem:s21+$0xE0]  }
0xab: {  	v13 =	vadd.f32 v12, v16;
	v12 =	vadd.f32 v9, v18;
	v9 =	vld [tilespmem:s21+$0xF0];
	s21 =	sadd.s32 $0x200, s21  }
0xac: {  	_ = 	snop  }
0xad: {  	v4 =	vadd.f32 v4, v11;
	v2 =	vadd.f32 v2, v13  }
0xae: {  	v7 =	vadd.f32 v7, v10;
	s18 =	sadd.s32 $0x1, s18;
	v3 =	vadd.f32 v3, v12  }
0xaf: {  	s19 =	sshll.u32 s19, $0x6;
	p0 =	sne.s32 s18, $0x40;
	v4 =	vadd.f32 v5, v4;
	v0 =	vadd.f32 v0, v2  }
.Ltmp2:
0xb0: {  	s19 =	sand.u32 $0x3FFFFFC0, s19;
	v61 =	vadd.f32 v8, v7;
	v1 =	vadd.f32 v1, v3;
	(pc) =	sbr.rel @p0 .LBB2_2-.Ltmp2, $4  }
0xb1: {  	v62 =	vadd.f32 v6, v4;
	[tilespmem:s19+$0xC800] =	vst v0  }
0xb2: {  	v63 =	vadd.f32 v9, v61;
	[tilespmem:s19+$0xC810] =	vst v1  }
0xb3: {  	[tilespmem:s19+$0xC820] =	vst v62  }
0xb4: {  	[tilespmem:s19+$0xC830] =	vst v63  }
0xb5: {  	_ =	swait.ge [sflag:s14], $0x3200;
	s17 =	sadd.s32 $0x1, s17  }
0xb6: {  	[sflag:s14] =	ssyncset.done $0x0;
	p0 =	sne.s32 s17, s6  }
.Ltmp3:
0xb7: {  	[sflag:s14] =	ssyncadd.s32 $0xFFFFCE00;
	(pc) =	sbr.rel @p0 .LBB2_1-.Ltmp3, $4  }
0xb8: {  	[hbm4b:s5+s2] =	stream.linear.scatter [tilespmem:s16], [sflag:$0x3], $0x2000, $0x38;
	[tilespmem:$0xE800] =	vst v63  }
0xb9: {  	_ =	swait.ge [sflag:s7], $0x2000  }
0xba: {  	[sflag:s7] =	ssyncset.done $0x0  }
0xbb: {  	[sflag:s7] =	ssyncadd.s32 $0xFFFFE000  }
0xbc: {  	_ =	sfence.sel $0x180000  }
0xbd: {  	[bflag:$0x0] =	sbarrier.arrive $0xFFFF  }
0xbe: {  	p0 =	sne.s32 s0, $0x0;
	_ =	strace $0x9000004A  }
0xbf: {  	s0 =	sadd.s32 @!p0 $0x100000, s1;
	[bflag:$0x2] =	sbarrier.arrive $0xFFFF  }
0xc0: {  	[sflag:s0] =	ssyncadd.tile.s32 @!p0 $0x1;
	_ =	shalt  }
.Lfunc_end2:
_tile_overlayer_lowered:
.L_overlay_start_2:
0xc1: {  	(tag) =	ssettag $0x2  }
0xc2: {  	s0 =	rddreg [dreg:$0x0];
	s2 =	stileid.u32  }
0xc3: {  	s1 =	rddreg [dreg:$0x1];
	p0 =	sne.s32 s2, $0x0  }
0xc4: {  	s3 =	rddreg [dreg:$0x2];
	[bflag:$0x3] =	sbarrier.arrive $0xFFFF;
	s2 =	simm.s32 @!p0 $0x1C03  }
0xc5: {  	[timem:s3], [sflag:s2] =	dma.local @!p0 [hbm:s0], s1  }
0xc6: {  	s0 =	simm.s32 @!p0 $0x3  }
0xc7: {  	_ =	swait.ge @!p0 [sflag:s0], s1  }
0xc8: {  	s1 =	ssub.s32 @!p0 $0x0, s1;
	[sflag:s0] =	ssyncset.done @!p0 $0x0  }
0xc9: {  	[sflag:s0] =	ssyncadd.s32 @!p0 s1  }
0xca: {  	[bflag:$0x3] =	sbarrier.arrive $0xFFFF  }
0xcb: {  	_ =	shalt  }

</sc_bundles>
